<compile_context>
chip_gen: v7x
topology: tpu7x:2x2x1
jax: 0.10.2.dev20260603
libtpu: 0.0.44.dev20260713+nightly
codegen_flags: <defaults>
</compile_context>

<pallas_src>
import jax
import jax.numpy as jnp
from jax import lax
from jax.experimental import pallas as pl
from jax.experimental.pallas import tpu as pltpu
from jax.experimental.pallas import tpu_sc as plsc

N = 4096
D = 2048
B = 256

NC = 2
NS = 16
NW = NC * NS
RPW = N // NW
RC = 8
NCHUNK = RPW // RC


def _tc_kernel(ub_ref, lb_ref, Wu_in_ref, bu_in_ref, Wl_in_ref, bl_in_ref,
               alpha_ref,
               new_ub_ref, new_lb_ref, Wu_ref, bu_ref, Wl_ref, bl_ref,
               Wu2_ref, bu2_ref, bl2_ref):
    i = pl.program_id(0)
    ub = ub_ref[:]
    lb = lb_ref[:]
    alpha = alpha_ref[:]
    bu_in = bu_in_ref[:]
    bl_in = bl_in_ref[:]

    neg = ub <= 0.0
    pos = lb >= 0.0
    cross = jnp.logical_not(jnp.logical_or(neg, pos))
    alpha_c = jnp.clip(alpha, 0.0, 1.0)
    denom = jnp.where(cross, ub - lb, 1.0)
    a = jnp.where(cross, ub / denom, 0.0)
    b = -lb * a

    new_ub_ref[:] = jnp.where(neg, 0.0, ub)
    new_lb_ref[:] = jnp.where(pos, lb, jnp.where(cross, alpha_c * lb, 0.0))
    bu_ref[:] = jnp.where(pos, bu_in, jnp.where(cross, bu_in + b, 0.0))
    bl_ref[:] = jnp.where(pos, bl_in, jnp.where(cross, bu_in, 0.0))
    bu2_ref[:] = jnp.where(cross, b, 0.0)
    bl2_ref[:] = jnp.zeros_like(b)

    u_scale = jnp.where(pos, 1.0, a)
    l_scale = jnp.where(pos, 1.0, jnp.where(cross, alpha_c, 0.0))
    Wu_ref[:, :] = u_scale[:, None] * Wu_in_ref[:, :]
    Wl_ref[:, :] = l_scale[:, None] * Wl_in_ref[:, :]

    du = jnp.where(cross, a, 1.0)
    rows = lax.broadcasted_iota(jnp.int32, (B, N), 0) + i * B
    cols = lax.broadcasted_iota(jnp.int32, (B, N), 1)
    Wu2_ref[:, :] = jnp.where(rows == cols, du[:, None], 0.0)


def _tc_part(ub, lb, W_upper, b_upper, W_lower, b_lower, alpha):
    grid = (N // B,)
    vec_spec = pl.BlockSpec((B,), lambda i: (i,))
    mat_spec = pl.BlockSpec((B, D), lambda i: (i, 0))
    diag_spec = pl.BlockSpec((B, N), lambda i: (i, 0))
    f32 = jnp.float32
    out_shapes = (
        jax.ShapeDtypeStruct((N,), f32),
        jax.ShapeDtypeStruct((N,), f32),
        jax.ShapeDtypeStruct((N, D), f32),
        jax.ShapeDtypeStruct((N,), f32),
        jax.ShapeDtypeStruct((N, D), f32),
        jax.ShapeDtypeStruct((N,), f32),
        jax.ShapeDtypeStruct((N, N), f32),
        jax.ShapeDtypeStruct((N,), f32),
        jax.ShapeDtypeStruct((N,), f32),
    )
    out_specs = (vec_spec, vec_spec, mat_spec, vec_spec, mat_spec, vec_spec,
                 diag_spec, vec_spec, vec_spec)
    in_specs = (vec_spec, vec_spec, mat_spec, vec_spec, mat_spec, vec_spec,
                vec_spec)
    return pl.pallas_call(
        _tc_kernel,
        grid=grid,
        in_specs=in_specs,
        out_specs=out_specs,
        out_shape=out_shapes,
    )(ub, lb, W_upper, b_upper, W_lower, b_lower, alpha)


def _sc_body(wl2_hbm, zb, sem):
    wid = lax.axis_index("s") * NC + lax.axis_index("c")
    row0 = wid * RPW

    zeros16 = jnp.zeros((16,), jnp.float32)
    for r in range(RC):
        def _zero(k, _, r=r):
            zb[r, pl.ds(k * 16, 16)] = zeros16
            return 0
        lax.fori_loop(0, N // 16, _zero, 0)

    copies = []
    for c in range(NCHUNK):
        copies.append(pltpu.async_copy(
            zb, wl2_hbm.at[pl.ds(row0 + c * RC, RC), :], sem))
    for cp in copies:
        cp.wait()


def _sc_zero_fill():
    mesh = plsc.VectorSubcoreMesh(core_axis_name="c", subcore_axis_name="s")
    fill_kernel = pl.kernel(
        _sc_body,
        out_type=jax.ShapeDtypeStruct((N, N), jnp.float32),
        mesh=mesh,
        compiler_params=pltpu.CompilerParams(needs_layout_passes=False),
        scratch_types=(
            pltpu.VMEM((RC, N), jnp.float32),
            pltpu.SemaphoreType.DMA,
        ),
    )
    return fill_kernel()


def _tc_patch_kernel(ub_ref, lb_ref, alpha_ref, wl2_in_ref, wl2_ref):
    ub = ub_ref[:]
    lb = lb_ref[:]
    alpha = alpha_ref[:]
    cross = jnp.logical_and(ub > 0.0, lb < 0.0)
    alpha_c = jnp.clip(alpha, 0.0, 1.0)
    dl = jnp.where(cross, alpha_c, 1.0)
    r = lax.broadcasted_iota(jnp.int32, (RPW, RPW), 0)
    c = lax.broadcasted_iota(jnp.int32, (RPW, RPW), 1)
    wl2_ref[:, :] = jnp.where(r == c, dl[:, None], 0.0)


def _tc_diag_patch(ub, lb, alpha, wl2_zeros):
    vec_spec = pl.BlockSpec((RPW,), lambda i: (i,))
    return pl.pallas_call(
        _tc_patch_kernel,
        grid=(NW,),
        in_specs=(vec_spec, vec_spec, vec_spec,
                  pl.BlockSpec(memory_space=pl.ANY)),
        out_specs=pl.BlockSpec((RPW, RPW), lambda i: (i, i)),
        out_shape=jax.ShapeDtypeStruct((N, N), jnp.float32),
        input_output_aliases={3: 0},
    )(ub, lb, alpha, wl2_zeros)


@jax.jit
def kernel(ub, lb, W_upper, b_upper, W_lower, b_lower, alpha, input_ub, input_lb):
    del input_ub, input_lb
    wl2_zeros = _sc_zero_fill()
    (new_ub, new_lb, Wu, bu, Wl, bl, Wu2, bu2, bl2) = _tc_part(
        ub, lb, W_upper, b_upper, W_lower, b_lower, alpha)
    wl2 = _tc_diag_patch(ub, lb, alpha, wl2_zeros)
    return (new_ub, new_lb, Wu, bu, Wl, bl, Wu2, bu2, wl2, bl2)

# --- scband reference (transcript-rebuilt; emitter-appended) ---
"""Pipeline reference for scband-abstract-re-lu-83889301226213 (READ-ONLY COPY).

The authoritative reference and input builder live on the scoring server;
editing this copy changes nothing except your own understanding.
"""

import jax, jax.numpy as jnp
import numpy as np

N = 4096
D = 2048


def setup_inputs(seed: int = 0) -> dict:
    key = jax.random.key(seed)
    ks = jax.random.split(key, 9)
    return {
        "ub": jax.random.normal(ks[0], (N,), dtype=jnp.float32),
        "lb": jax.random.normal(ks[1], (N,), dtype=jnp.float32),
        "W_upper": jax.random.normal(ks[2], (N, D), dtype=jnp.float32),
        "b_upper": jax.random.normal(ks[3], (N,), dtype=jnp.float32),
        "W_lower": jax.random.normal(ks[4], (N, D), dtype=jnp.float32),
        "b_lower": jax.random.normal(ks[5], (N,), dtype=jnp.float32),
        "alpha": jax.random.uniform(ks[6], (N,), dtype=jnp.float32),
        "input_ub": jax.random.normal(ks[7], (D,), dtype=jnp.float32),
        "input_lb": jax.random.normal(ks[8], (D,), dtype=jnp.float32),
    }


def reference(ub, lb, W_upper, b_upper, W_lower, b_lower, alpha, input_ub, input_lb):
    # AbstractReLU bound propagation (CROWN-style) as in the torch module.
    neg_mask = ub <= 0.0
    pos_mask = lb >= 0.0
    cross_mask = jnp.logical_not(jnp.logical_or(neg_mask, pos_mask))
    alpha_c = jnp.clip(alpha, 0.0, 1.0)
    # slope a = ub / (ub - lb), intercept b = -lb * a on crossing neurons
    denom = jnp.where(cross_mask, ub - lb, 1.0)
    a = jnp.where(cross_mask, ub / denom, 0.0)
    b = -lb * a
    # self.ub / self.lb: zeros, then pos rows copied, then cross rows set
    new_ub = jnp.where(neg_mask, 0.0, ub)
    new_lb = jnp.where(pos_mask, lb, jnp.where(cross_mask, alpha_c * lb, 0.0))
    # W_upper / b_upper: zeros with masked row scatter-overwrites
    Wu = jnp.where(pos_mask[:, None], W_upper,
                   jnp.where(cross_mask[:, None], a[:, None] * W_upper, 0.0))
    bu = jnp.where(pos_mask, b_upper, jnp.where(cross_mask, b_upper + b, 0.0))
    Wl = jnp.where(pos_mask[:, None], W_lower,
                   jnp.where(cross_mask[:, None], alpha_c[:, None] * W_lower, 0.0))
    # NOTE: original torch code sets b_lower[cross] = prev.b_upper[cross] (kept faithfully)
    bl = jnp.where(pos_mask, b_lower, jnp.where(cross_mask, b_upper, 0.0))
    # W_upper2/W_lower2: identity, cross rows replaced by rows of diag(a)/diag(alpha)
    Wu2 = jnp.diag(jnp.where(cross_mask, a, 1.0))
    Wl2 = jnp.diag(jnp.where(cross_mask, alpha_c, 1.0))
    bu2 = jnp.where(cross_mask, b, 0.0)
    bl2 = jnp.zeros_like(bu2)
    return (new_ub, new_lb, Wu, bu, Wl, bl, Wu2, bu2, Wl2, bl2)

if __name__ == "__main__":
    import jax
    _d = setup_inputs()
    print(jax.jit(kernel)(*tuple(_d.values())))

</pallas_src>

<mosaic_0001>
#map = affine_map<(d0, d1) -> (0, 0)>
module attributes {stable_mosaic.version = 14 : i64} {
  func.func @_sc_body(%arg0: i32, %arg1: i32, %arg2: memref<4096x4096xf32, #tpu.memory_space<hbm>>, %arg3: memref<8x4096xf32, #tpu.memory_space<vmem>>, %arg4: memref<!tpu.dma_semaphore, #tpu.memory_space<semaphore_mem>>) attributes {dimension_semantics = [#tpu.dimension_semantics<core_parallel>, #tpu.dimension_semantics<subcore_parallel>], iteration_bounds = array<i64: 2, 16>, scalar_prefetch = 0 : i64, scratch_operands = 2 : i64, tpu.core_type = #tpu.core_type<sc_vector_subcore>, window_params = [{transform_indices = #map}]} {
    %mul3A = arith.constant 2 : i32
    %mul3A_0 = arith.muli %arg1, %mul3A : i32
    %add3A = arith.addi %mul3A_0, %arg0 : i32
    %mul3A_1 = arith.constant 128 : i32
    %mul3A_2 = arith.muli %add3A, %mul3A_1 : i32
    %broadcast_in_dim3A = arith.constant 0.000000e+00 : f32
    %broadcast_in_dim3A_3 = vector.broadcast %broadcast_in_dim3A : f32 to vector<16xf32>
    %scan3A = arith.constant 0 : i32
    %scan3A_4 = arith.constant 0 : i32
    %scan3A_5 = arith.constant 256 : i32
    %scan3A_6 = arith.addi %scan3A_4, %scan3A_5 : i32
    %scan3A_7 = arith.constant 1 : i32
    %scan3A_8 = scf.for %scan3A_217 = %scan3A_4 to %scan3A_6 step %scan3A_7 iter_args(%scan3A_218 = %scan3A) -> (i32)  : i32 {
      %mul3A_219 = arith.constant 16 : i32
      %mul3A_220 = arith.muli %scan3A_217, %mul3A_219 : i32
      %swap3A = arith.constant 0 : i32
      %swap3A_221 = arith.index_cast %swap3A : i32 to index
      %swap3A_222 = arith.index_cast %mul3A_220 : i32 to index
      %swap3A_223 = tpu.vector_load %arg3[%swap3A_221, %swap3A_222] {strides = array<i32>} : memref<8x4096xf32, #tpu.memory_space<vmem>>, vector<16xf32>,
      tpu.vector_store %arg3[%swap3A_221, %swap3A_222], %broadcast_in_dim3A_3 {strides = array<i32>} : memref<8x4096xf32, #tpu.memory_space<vmem>>, vector<16xf32>,
      %scan3A_224 = arith.constant 0 : i32
      scf.yield %scan3A_224 : i32
    }
    %scan3A_9 = arith.constant 256 : i32
    %scan3A_10 = arith.constant 0 : i32
    %scan3A_11 = arith.constant 0 : i32
    %scan3A_12 = arith.constant 256 : i32
    %scan3A_13 = arith.addi %scan3A_11, %scan3A_12 : i32
    %scan3A_14 = arith.constant 1 : i32
    %scan3A_15 = scf.for %scan3A_217 = %scan3A_11 to %scan3A_13 step %scan3A_14 iter_args(%scan3A_218 = %scan3A_10) -> (i32)  : i32 {
      %mul3A_219 = arith.constant 16 : i32
      %mul3A_220 = arith.muli %scan3A_217, %mul3A_219 : i32
      %swap3A = arith.constant 1 : i32
      %swap3A_221 = arith.index_cast %swap3A : i32 to index
      %swap3A_222 = arith.index_cast %mul3A_220 : i32 to index
      %swap3A_223 = tpu.vector_load %arg3[%swap3A_221, %swap3A_222] {strides = array<i32>} : memref<8x4096xf32, #tpu.memory_space<vmem>>, vector<16xf32>,
      tpu.vector_store %arg3[%swap3A_221, %swap3A_222], %broadcast_in_dim3A_3 {strides = array<i32>} : memref<8x4096xf32, #tpu.memory_space<vmem>>, vector<16xf32>,
      %scan3A_224 = arith.constant 0 : i32
      scf.yield %scan3A_224 : i32
    }
    %scan3A_16 = arith.constant 256 : i32
    %scan3A_17 = arith.constant 0 : i32
    %scan3A_18 = arith.constant 0 : i32
    %scan3A_19 = arith.constant 256 : i32
    %scan3A_20 = arith.addi %scan3A_18, %scan3A_19 : i32
    %scan3A_21 = arith.constant 1 : i32
    %scan3A_22 = scf.for %scan3A_217 = %scan3A_18 to %scan3A_20 step %scan3A_21 iter_args(%scan3A_218 = %scan3A_17) -> (i32)  : i32 {
      %mul3A_219 = arith.constant 16 : i32
      %mul3A_220 = arith.muli %scan3A_217, %mul3A_219 : i32
      %swap3A = arith.constant 2 : i32
      %swap3A_221 = arith.index_cast %swap3A : i32 to index
      %swap3A_222 = arith.index_cast %mul3A_220 : i32 to index
      %swap3A_223 = tpu.vector_load %arg3[%swap3A_221, %swap3A_222] {strides = array<i32>} : memref<8x4096xf32, #tpu.memory_space<vmem>>, vector<16xf32>,
      tpu.vector_store %arg3[%swap3A_221, %swap3A_222], %broadcast_in_dim3A_3 {strides = array<i32>} : memref<8x4096xf32, #tpu.memory_space<vmem>>, vector<16xf32>,
      %scan3A_224 = arith.constant 0 : i32
      scf.yield %scan3A_224 : i32
    }
    %scan3A_23 = arith.constant 256 : i32
    %scan3A_24 = arith.constant 0 : i32
    %scan3A_25 = arith.constant 0 : i32
    %scan3A_26 = arith.constant 256 : i32
    %scan3A_27 = arith.addi %scan3A_25, %scan3A_26 : i32
    %scan3A_28 = arith.constant 1 : i32
    %scan3A_29 = scf.for %scan3A_217 = %scan3A_25 to %scan3A_27 step %scan3A_28 iter_args(%scan3A_218 = %scan3A_24) -> (i32)  : i32 {
      %mul3A_219 = arith.constant 16 : i32
      %mul3A_220 = arith.muli %scan3A_217, %mul3A_219 : i32
      %swap3A = arith.constant 3 : i32
      %swap3A_221 = arith.index_cast %swap3A : i32 to index
      %swap3A_222 = arith.index_cast %mul3A_220 : i32 to index
      %swap3A_223 = tpu.vector_load %arg3[%swap3A_221, %swap3A_222] {strides = array<i32>} : memref<8x4096xf32, #tpu.memory_space<vmem>>, vector<16xf32>,
      tpu.vector_store %arg3[%swap3A_221, %swap3A_222], %broadcast_in_dim3A_3 {strides = array<i32>} : memref<8x4096xf32, #tpu.memory_space<vmem>>, vector<16xf32>,
      %scan3A_224 = arith.constant 0 : i32
      scf.yield %scan3A_224 : i32
    }
    %scan3A_30 = arith.constant 256 : i32
    %scan3A_31 = arith.constant 0 : i32
    %scan3A_32 = arith.constant 0 : i32
    %scan3A_33 = arith.constant 256 : i32
    %scan3A_34 = arith.addi %scan3A_32, %scan3A_33 : i32
    %scan3A_35 = arith.constant 1 : i32
    %scan3A_36 = scf.for %scan3A_217 = %scan3A_32 to %scan3A_34 step %scan3A_35 iter_args(%scan3A_218 = %scan3A_31) -> (i32)  : i32 {
      %mul3A_219 = arith.constant 16 : i32
      %mul3A_220 = arith.muli %scan3A_217, %mul3A_219 : i32
      %swap3A = arith.constant 4 : i32
      %swap3A_221 = arith.index_cast %swap3A : i32 to index
      %swap3A_222 = arith.index_cast %mul3A_220 : i32 to index
      %swap3A_223 = tpu.vector_load %arg3[%swap3A_221, %swap3A_222] {strides = array<i32>} : memref<8x4096xf32, #tpu.memory_space<vmem>>, vector<16xf32>,
      tpu.vector_store %arg3[%swap3A_221, %swap3A_222], %broadcast_in_dim3A_3 {strides = array<i32>} : memref<8x4096xf32, #tpu.memory_space<vmem>>, vector<16xf32>,
      %scan3A_224 = arith.constant 0 : i32
      scf.yield %scan3A_224 : i32
    }
    %scan3A_37 = arith.constant 256 : i32
    %scan3A_38 = arith.constant 0 : i32
    %scan3A_39 = arith.constant 0 : i32
    %scan3A_40 = arith.constant 256 : i32
    %scan3A_41 = arith.addi %scan3A_39, %scan3A_40 : i32
    %scan3A_42 = arith.constant 1 : i32
    %scan3A_43 = scf.for %scan3A_217 = %scan3A_39 to %scan3A_41 step %scan3A_42 iter_args(%scan3A_218 = %scan3A_38) -> (i32)  : i32 {
      %mul3A_219 = arith.constant 16 : i32
      %mul3A_220 = arith.muli %scan3A_217, %mul3A_219 : i32
      %swap3A = arith.constant 5 : i32
      %swap3A_221 = arith.index_cast %swap3A : i32 to index
      %swap3A_222 = arith.index_cast %mul3A_220 : i32 to index
      %swap3A_223 = tpu.vector_load %arg3[%swap3A_221, %swap3A_222] {strides = array<i32>} : memref<8x4096xf32, #tpu.memory_space<vmem>>, vector<16xf32>,
      tpu.vector_store %arg3[%swap3A_221, %swap3A_222], %broadcast_in_dim3A_3 {strides = array<i32>} : memref<8x4096xf32, #tpu.memory_space<vmem>>, vector<16xf32>,
      %scan3A_224 = arith.constant 0 : i32
      scf.yield %scan3A_224 : i32
    }
    %scan3A_44 = arith.constant 256 : i32
    %scan3A_45 = arith.constant 0 : i32
    %scan3A_46 = arith.constant 0 : i32
    %scan3A_47 = arith.constant 256 : i32
    %scan3A_48 = arith.addi %scan3A_46, %scan3A_47 : i32
    %scan3A_49 = arith.constant 1 : i32
    %scan3A_50 = scf.for %scan3A_217 = %scan3A_46 to %scan3A_48 step %scan3A_49 iter_args(%scan3A_218 = %scan3A_45) -> (i32)  : i32 {
      %mul3A_219 = arith.constant 16 : i32
      %mul3A_220 = arith.muli %scan3A_217, %mul3A_219 : i32
      %swap3A = arith.constant 6 : i32
      %swap3A_221 = arith.index_cast %swap3A : i32 to index
      %swap3A_222 = arith.index_cast %mul3A_220 : i32 to index
      %swap3A_223 = tpu.vector_load %arg3[%swap3A_221, %swap3A_222] {strides = array<i32>} : memref<8x4096xf32, #tpu.memory_space<vmem>>, vector<16xf32>,
      tpu.vector_store %arg3[%swap3A_221, %swap3A_222], %broadcast_in_dim3A_3 {strides = array<i32>} : memref<8x4096xf32, #tpu.memory_space<vmem>>, vector<16xf32>,
      %scan3A_224 = arith.constant 0 : i32
      scf.yield %scan3A_224 : i32
    }
    %scan3A_51 = arith.constant 256 : i32
    %scan3A_52 = arith.constant 0 : i32
    %scan3A_53 = arith.constant 0 : i32
    %scan3A_54 = arith.constant 256 : i32
    %scan3A_55 = arith.addi %scan3A_53, %scan3A_54 : i32
    %scan3A_56 = arith.constant 1 : i32
    %scan3A_57 = scf.for %scan3A_217 = %scan3A_53 to %scan3A_55 step %scan3A_56 iter_args(%scan3A_218 = %scan3A_52) -> (i32)  : i32 {
      %mul3A_219 = arith.constant 16 : i32
      %mul3A_220 = arith.muli %scan3A_217, %mul3A_219 : i32
      %swap3A = arith.constant 7 : i32
      %swap3A_221 = arith.index_cast %swap3A : i32 to index
      %swap3A_222 = arith.index_cast %mul3A_220 : i32 to index
      %swap3A_223 = tpu.vector_load %arg3[%swap3A_221, %swap3A_222] {strides = array<i32>} : memref<8x4096xf32, #tpu.memory_space<vmem>>, vector<16xf32>,
      tpu.vector_store %arg3[%swap3A_221, %swap3A_222], %broadcast_in_dim3A_3 {strides = array<i32>} : memref<8x4096xf32, #tpu.memory_space<vmem>>, vector<16xf32>,
      %scan3A_224 = arith.constant 0 : i32
      scf.yield %scan3A_224 : i32
    }
    %scan3A_58 = arith.constant 256 : i32
    %add3A_59 = arith.constant 0 : i32
    %add3A_60 = arith.addi %mul3A_2, %add3A_59 : i32
    %dma_start3A = arith.constant 0 : i32
    %dma_start3A_61 = tpu.memref_slice %arg2[%add3A_60, %dma_start3A] : memref<4096x4096xf32, #tpu.memory_space<hbm>> -> memref<8x4096xf32, #tpu.memory_space<hbm>>
    %dma_start3A_62 = arith.constant 0 : i32
    %dma_start3A_63 = tpu.memref_slice %arg2[%add3A_60, %dma_start3A_62] : memref<4096x4096xf32, #tpu.memory_space<hbm>> -> memref<8x4096xf32, #tpu.memory_space<hbm>>
    tpu.enqueue_dma source(%arg3 : memref<8x4096xf32, #tpu.memory_space<vmem>>) target(%dma_start3A_63 : memref<8x4096xf32, #tpu.memory_space<hbm>>) target_semaphore(%arg4 : memref<!tpu.dma_semaphore, #tpu.memory_space<semaphore_mem>>)
    %add3A_64 = arith.constant 8 : i32
    %add3A_65 = arith.addi %mul3A_2, %add3A_64 : i32
    %dma_start3A_66 = arith.constant 0 : i32
    %dma_start3A_67 = tpu.memref_slice %arg2[%add3A_65, %dma_start3A_66] : memref<4096x4096xf32, #tpu.memory_space<hbm>> -> memref<8x4096xf32, #tpu.memory_space<hbm>>
    %dma_start3A_68 = arith.constant 0 : i32
    %dma_start3A_69 = tpu.memref_slice %arg2[%add3A_65, %dma_start3A_68] : memref<4096x4096xf32, #tpu.memory_space<hbm>> -> memref<8x4096xf32, #tpu.memory_space<hbm>>
    tpu.enqueue_dma source(%arg3 : memref<8x4096xf32, #tpu.memory_space<vmem>>) target(%dma_start3A_69 : memref<8x4096xf32, #tpu.memory_space<hbm>>) target_semaphore(%arg4 : memref<!tpu.dma_semaphore, #tpu.memory_space<semaphore_mem>>)
    %add3A_70 = arith.constant 16 : i32
    %add3A_71 = arith.addi %mul3A_2, %add3A_70 : i32
    %dma_start3A_72 = arith.constant 0 : i32
    %dma_start3A_73 = tpu.memref_slice %arg2[%add3A_71, %dma_start3A_72] : memref<4096x4096xf32, #tpu.memory_space<hbm>> -> memref<8x4096xf32, #tpu.memory_space<hbm>>
    %dma_start3A_74 = arith.constant 0 : i32
    %dma_start3A_75 = tpu.memref_slice %arg2[%add3A_71, %dma_start3A_74] : memref<4096x4096xf32, #tpu.memory_space<hbm>> -> memref<8x4096xf32, #tpu.memory_space<hbm>>
    tpu.enqueue_dma source(%arg3 : memref<8x4096xf32, #tpu.memory_space<vmem>>) target(%dma_start3A_75 : memref<8x4096xf32, #tpu.memory_space<hbm>>) target_semaphore(%arg4 : memref<!tpu.dma_semaphore, #tpu.memory_space<semaphore_mem>>)
    %add3A_76 = arith.constant 24 : i32
    %add3A_77 = arith.addi %mul3A_2, %add3A_76 : i32
    %dma_start3A_78 = arith.constant 0 : i32
    %dma_start3A_79 = tpu.memref_slice %arg2[%add3A_77, %dma_start3A_78] : memref<4096x4096xf32, #tpu.memory_space<hbm>> -> memref<8x4096xf32, #tpu.memory_space<hbm>>
    %dma_start3A_80 = arith.constant 0 : i32
    %dma_start3A_81 = tpu.memref_slice %arg2[%add3A_77, %dma_start3A_80] : memref<4096x4096xf32, #tpu.memory_space<hbm>> -> memref<8x4096xf32, #tpu.memory_space<hbm>>
    tpu.enqueue_dma source(%arg3 : memref<8x4096xf32, #tpu.memory_space<vmem>>) target(%dma_start3A_81 : memref<8x4096xf32, #tpu.memory_space<hbm>>) target_semaphore(%arg4 : memref<!tpu.dma_semaphore, #tpu.memory_space<semaphore_mem>>)
    %add3A_82 = arith.constant 32 : i32
    %add3A_83 = arith.addi %mul3A_2, %add3A_82 : i32
    %dma_start3A_84 = arith.constant 0 : i32
    %dma_start3A_85 = tpu.memref_slice %arg2[%add3A_83, %dma_start3A_84] : memref<4096x4096xf32, #tpu.memory_space<hbm>> -> memref<8x4096xf32, #tpu.memory_space<hbm>>
    %dma_start3A_86 = arith.constant 0 : i32
    %dma_start3A_87 = tpu.memref_slice %arg2[%add3A_83, %dma_start3A_86] : memref<4096x4096xf32, #tpu.memory_space<hbm>> -> memref<8x4096xf32, #tpu.memory_space<hbm>>
    tpu.enqueue_dma source(%arg3 : memref<8x4096xf32, #tpu.memory_space<vmem>>) target(%dma_start3A_87 : memref<8x4096xf32, #tpu.memory_space<hbm>>) target_semaphore(%arg4 : memref<!tpu.dma_semaphore, #tpu.memory_space<semaphore_mem>>)
    %add3A_88 = arith.constant 40 : i32
    %add3A_89 = arith.addi %mul3A_2, %add3A_88 : i32
    %dma_start3A_90 = arith.constant 0 : i32
    %dma_start3A_91 = tpu.memref_slice %arg2[%add3A_89, %dma_start3A_90] : memref<4096x4096xf32, #tpu.memory_space<hbm>> -> memref<8x4096xf32, #tpu.memory_space<hbm>>
    %dma_start3A_92 = arith.constant 0 : i32
    %dma_start3A_93 = tpu.memref_slice %arg2[%add3A_89, %dma_start3A_92] : memref<4096x4096xf32, #tpu.memory_space<hbm>> -> memref<8x4096xf32, #tpu.memory_space<hbm>>
    tpu.enqueue_dma source(%arg3 : memref<8x4096xf32, #tpu.memory_space<vmem>>) target(%dma_start3A_93 : memref<8x4096xf32, #tpu.memory_space<hbm>>) target_semaphore(%arg4 : memref<!tpu.dma_semaphore, #tpu.memory_space<semaphore_mem>>)
    %add3A_94 = arith.constant 48 : i32
    %add3A_95 = arith.addi %mul3A_2, %add3A_94 : i32
    %dma_start3A_96 = arith.constant 0 : i32
    %dma_start3A_97 = tpu.memref_slice %arg2[%add3A_95, %dma_start3A_96] : memref<4096x4096xf32, #tpu.memory_space<hbm>> -> memref<8x4096xf32, #tpu.memory_space<hbm>>
    %dma_start3A_98 = arith.constant 0 : i32
    %dma_start3A_99 = tpu.memref_slice %arg2[%add3A_95, %dma_start3A_98] : memref<4096x4096xf32, #tpu.memory_space<hbm>> -> memref<8x4096xf32, #tpu.memory_space<hbm>>
    tpu.enqueue_dma source(%arg3 : memref<8x4096xf32, #tpu.memory_space<vmem>>) target(%dma_start3A_99 : memref<8x4096xf32, #tpu.memory_space<hbm>>) target_semaphore(%arg4 : memref<!tpu.dma_semaphore, #tpu.memory_space<semaphore_mem>>)
    %add3A_100 = arith.constant 56 : i32
    %add3A_101 = arith.addi %mul3A_2, %add3A_100 : i32
    %dma_start3A_102 = arith.constant 0 : i32
    %dma_start3A_103 = tpu.memref_slice %arg2[%add3A_101, %dma_start3A_102] : memref<4096x4096xf32, #tpu.memory_space<hbm>> -> memref<8x4096xf32, #tpu.memory_space<hbm>>
    %dma_start3A_104 = arith.constant 0 : i32
    %dma_start3A_105 = tpu.memref_slice %arg2[%add3A_101, %dma_start3A_104] : memref<4096x4096xf32, #tpu.memory_space<hbm>> -> memref<8x4096xf32, #tpu.memory_space<hbm>>
    tpu.enqueue_dma source(%arg3 : memref<8x4096xf32, #tpu.memory_space<vmem>>) target(%dma_start3A_105 : memref<8x4096xf32, #tpu.memory_space<hbm>>) target_semaphore(%arg4 : memref<!tpu.dma_semaphore, #tpu.memory_space<semaphore_mem>>)
    %add3A_106 = arith.constant 64 : i32
    %add3A_107 = arith.addi %mul3A_2, %add3A_106 : i32
    %dma_start3A_108 = arith.constant 0 : i32
    %dma_start3A_109 = tpu.memref_slice %arg2[%add3A_107, %dma_start3A_108] : memref<4096x4096xf32, #tpu.memory_space<hbm>> -> memref<8x4096xf32, #tpu.memory_space<hbm>>
    %dma_start3A_110 = arith.constant 0 : i32
    %dma_start3A_111 = tpu.memref_slice %arg2[%add3A_107, %dma_start3A_110] : memref<4096x4096xf32, #tpu.memory_space<hbm>> -> memref<8x4096xf32, #tpu.memory_space<hbm>>
    tpu.enqueue_dma source(%arg3 : memref<8x4096xf32, #tpu.memory_space<vmem>>) target(%dma_start3A_111 : memref<8x4096xf32, #tpu.memory_space<hbm>>) target_semaphore(%arg4 : memref<!tpu.dma_semaphore, #tpu.memory_space<semaphore_mem>>)
    %add3A_112 = arith.constant 72 : i32
    %add3A_113 = arith.addi %mul3A_2, %add3A_112 : i32
    %dma_start3A_114 = arith.constant 0 : i32
    %dma_start3A_115 = tpu.memref_slice %arg2[%add3A_113, %dma_start3A_114] : memref<4096x4096xf32, #tpu.memory_space<hbm>> -> memref<8x4096xf32, #tpu.memory_space<hbm>>
    %dma_start3A_116 = arith.constant 0 : i32
    %dma_start3A_117 = tpu.memref_slice %arg2[%add3A_113, %dma_start3A_116] : memref<4096x4096xf32, #tpu.memory_space<hbm>> -> memref<8x4096xf32, #tpu.memory_space<hbm>>
    tpu.enqueue_dma source(%arg3 : memref<8x4096xf32, #tpu.memory_space<vmem>>) target(%dma_start3A_117 : memref<8x4096xf32, #tpu.memory_space<hbm>>) target_semaphore(%arg4 : memref<!tpu.dma_semaphore, #tpu.memory_space<semaphore_mem>>)
    %add3A_118 = arith.constant 80 : i32
    %add3A_119 = arith.addi %mul3A_2, %add3A_118 : i32
    %dma_start3A_120 = arith.constant 0 : i32
    %dma_start3A_121 = tpu.memref_slice %arg2[%add3A_119, %dma_start3A_120] : memref<4096x4096xf32, #tpu.memory_space<hbm>> -> memref<8x4096xf32, #tpu.memory_space<hbm>>
    %dma_start3A_122 = arith.constant 0 : i32
    %dma_start3A_123 = tpu.memref_slice %arg2[%add3A_119, %dma_start3A_122] : memref<4096x4096xf32, #tpu.memory_space<hbm>> -> memref<8x4096xf32, #tpu.memory_space<hbm>>
    tpu.enqueue_dma source(%arg3 : memref<8x4096xf32, #tpu.memory_space<vmem>>) target(%dma_start3A_123 : memref<8x4096xf32, #tpu.memory_space<hbm>>) target_semaphore(%arg4 : memref<!tpu.dma_semaphore, #tpu.memory_space<semaphore_mem>>)
    %add3A_124 = arith.constant 88 : i32
    %add3A_125 = arith.addi %mul3A_2, %add3A_124 : i32
    %dma_start3A_126 = arith.constant 0 : i32
    %dma_start3A_127 = tpu.memref_slice %arg2[%add3A_125, %dma_start3A_126] : memref<4096x4096xf32, #tpu.memory_space<hbm>> -> memref<8x4096xf32, #tpu.memory_space<hbm>>
    %dma_start3A_128 = arith.constant 0 : i32
    %dma_start3A_129 = tpu.memref_slice %arg2[%add3A_125, %dma_start3A_128] : memref<4096x4096xf32, #tpu.memory_space<hbm>> -> memref<8x4096xf32, #tpu.memory_space<hbm>>
    tpu.enqueue_dma source(%arg3 : memref<8x4096xf32, #tpu.memory_space<vmem>>) target(%dma_start3A_129 : memref<8x4096xf32, #tpu.memory_space<hbm>>) target_semaphore(%arg4 : memref<!tpu.dma_semaphore, #tpu.memory_space<semaphore_mem>>)
    %add3A_130 = arith.constant 96 : i32
    %add3A_131 = arith.addi %mul3A_2, %add3A_130 : i32
    %dma_start3A_132 = arith.constant 0 : i32
    %dma_start3A_133 = tpu.memref_slice %arg2[%add3A_131, %dma_start3A_132] : memref<4096x4096xf32, #tpu.memory_space<hbm>> -> memref<8x4096xf32, #tpu.memory_space<hbm>>
    %dma_start3A_134 = arith.constant 0 : i32
    %dma_start3A_135 = tpu.memref_slice %arg2[%add3A_131, %dma_start3A_134] : memref<4096x4096xf32, #tpu.memory_space<hbm>> -> memref<8x4096xf32, #tpu.memory_space<hbm>>
    tpu.enqueue_dma source(%arg3 : memref<8x4096xf32, #tpu.memory_space<vmem>>) target(%dma_start3A_135 : memref<8x4096xf32, #tpu.memory_space<hbm>>) target_semaphore(%arg4 : memref<!tpu.dma_semaphore, #tpu.memory_space<semaphore_mem>>)
    %add3A_136 = arith.constant 104 : i32
    %add3A_137 = arith.addi %mul3A_2, %add3A_136 : i32
    %dma_start3A_138 = arith.constant 0 : i32
    %dma_start3A_139 = tpu.memref_slice %arg2[%add3A_137, %dma_start3A_138] : memref<4096x4096xf32, #tpu.memory_space<hbm>> -> memref<8x4096xf32, #tpu.memory_space<hbm>>
    %dma_start3A_140 = arith.constant 0 : i32
    %dma_start3A_141 = tpu.memref_slice %arg2[%add3A_137, %dma_start3A_140] : memref<4096x4096xf32, #tpu.memory_space<hbm>> -> memref<8x4096xf32, #tpu.memory_space<hbm>>
    tpu.enqueue_dma source(%arg3 : memref<8x4096xf32, #tpu.memory_space<vmem>>) target(%dma_start3A_141 : memref<8x4096xf32, #tpu.memory_space<hbm>>) target_semaphore(%arg4 : memref<!tpu.dma_semaphore, #tpu.memory_space<semaphore_mem>>)
    %add3A_142 = arith.constant 112 : i32
    %add3A_143 = arith.addi %mul3A_2, %add3A_142 : i32
    %dma_start3A_144 = arith.constant 0 : i32
    %dma_start3A_145 = tpu.memref_slice %arg2[%add3A_143, %dma_start3A_144] : memref<4096x4096xf32, #tpu.memory_space<hbm>> -> memref<8x4096xf32, #tpu.memory_space<hbm>>
    %dma_start3A_146 = arith.constant 0 : i32
    %dma_start3A_147 = tpu.memref_slice %arg2[%add3A_143, %dma_start3A_146] : memref<4096x4096xf32, #tpu.memory_space<hbm>> -> memref<8x4096xf32, #tpu.memory_space<hbm>>
    tpu.enqueue_dma source(%arg3 : memref<8x4096xf32, #tpu.memory_space<vmem>>) target(%dma_start3A_147 : memref<8x4096xf32, #tpu.memory_space<hbm>>) target_semaphore(%arg4 : memref<!tpu.dma_semaphore, #tpu.memory_space<semaphore_mem>>)
    %add3A_148 = arith.constant 120 : i32
    %add3A_149 = arith.addi %mul3A_2, %add3A_148 : i32
    %dma_start3A_150 = arith.constant 0 : i32
    %dma_start3A_151 = tpu.memref_slice %arg2[%add3A_149, %dma_start3A_150] : memref<4096x4096xf32, #tpu.memory_space<hbm>> -> memref<8x4096xf32, #tpu.memory_space<hbm>>
    %dma_start3A_152 = arith.constant 0 : i32
    %dma_start3A_153 = tpu.memref_slice %arg2[%add3A_149, %dma_start3A_152] : memref<4096x4096xf32, #tpu.memory_space<hbm>> -> memref<8x4096xf32, #tpu.memory_space<hbm>>
    tpu.enqueue_dma source(%arg3 : memref<8x4096xf32, #tpu.memory_space<vmem>>) target(%dma_start3A_153 : memref<8x4096xf32, #tpu.memory_space<hbm>>) target_semaphore(%arg4 : memref<!tpu.dma_semaphore, #tpu.memory_space<semaphore_mem>>)
    %dma_wait3A = arith.constant 0 : i32
    %dma_wait3A_154 = tpu.memref_slice %arg2[%add3A_60, %dma_wait3A] : memref<4096x4096xf32, #tpu.memory_space<hbm>> -> memref<8x4096xf32, #tpu.memory_space<hbm>>
    %dma_wait3A_155 = arith.constant 0 : i32
    %dma_wait3A_156 = tpu.memref_slice %arg2[%add3A_60, %dma_wait3A_155] : memref<4096x4096xf32, #tpu.memory_space<hbm>> -> memref<8x4096xf32, #tpu.memory_space<hbm>>
    tpu.wait_dma2 semaphore(%arg4 : memref<!tpu.dma_semaphore, #tpu.memory_space<semaphore_mem>>) src(%arg3 : memref<8x4096xf32, #tpu.memory_space<vmem>>) dst(%dma_wait3A_156 : memref<8x4096xf32, #tpu.memory_space<hbm>>)
    %dma_wait3A_157 = arith.constant 0 : i32
    %dma_wait3A_158 = tpu.memref_slice %arg2[%add3A_65, %dma_wait3A_157] : memref<4096x4096xf32, #tpu.memory_space<hbm>> -> memref<8x4096xf32, #tpu.memory_space<hbm>>
    %dma_wait3A_159 = arith.constant 0 : i32
    %dma_wait3A_160 = tpu.memref_slice %arg2[%add3A_65, %dma_wait3A_159] : memref<4096x4096xf32, #tpu.memory_space<hbm>> -> memref<8x4096xf32, #tpu.memory_space<hbm>>
    tpu.wait_dma2 semaphore(%arg4 : memref<!tpu.dma_semaphore, #tpu.memory_space<semaphore_mem>>) src(%arg3 : memref<8x4096xf32, #tpu.memory_space<vmem>>) dst(%dma_wait3A_160 : memref<8x4096xf32, #tpu.memory_space<hbm>>)
    %dma_wait3A_161 = arith.constant 0 : i32
    %dma_wait3A_162 = tpu.memref_slice %arg2[%add3A_71, %dma_wait3A_161] : memref<4096x4096xf32, #tpu.memory_space<hbm>> -> memref<8x4096xf32, #tpu.memory_space<hbm>>
    %dma_wait3A_163 = arith.constant 0 : i32
    %dma_wait3A_164 = tpu.memref_slice %arg2[%add3A_71, %dma_wait3A_163] : memref<4096x4096xf32, #tpu.memory_space<hbm>> -> memref<8x4096xf32, #tpu.memory_space<hbm>>
    tpu.wait_dma2 semaphore(%arg4 : memref<!tpu.dma_semaphore, #tpu.memory_space<semaphore_mem>>) src(%arg3 : memref<8x4096xf32, #tpu.memory_space<vmem>>) dst(%dma_wait3A_164 : memref<8x4096xf32, #tpu.memory_space<hbm>>)
    %dma_wait3A_165 = arith.constant 0 : i32
    %dma_wait3A_166 = tpu.memref_slice %arg2[%add3A_77, %dma_wait3A_165] : memref<4096x4096xf32, #tpu.memory_space<hbm>> -> memref<8x4096xf32, #tpu.memory_space<hbm>>
    %dma_wait3A_167 = arith.constant 0 : i32
    %dma_wait3A_168 = tpu.memref_slice %arg2[%add3A_77, %dma_wait3A_167] : memref<4096x4096xf32, #tpu.memory_space<hbm>> -> memref<8x4096xf32, #tpu.memory_space<hbm>>
    tpu.wait_dma2 semaphore(%arg4 : memref<!tpu.dma_semaphore, #tpu.memory_space<semaphore_mem>>) src(%arg3 : memref<8x4096xf32, #tpu.memory_space<vmem>>) dst(%dma_wait3A_168 : memref<8x4096xf32, #tpu.memory_space<hbm>>)
    %dma_wait3A_169 = arith.constant 0 : i32
    %dma_wait3A_170 = tpu.memref_slice %arg2[%add3A_83, %dma_wait3A_169] : memref<4096x4096xf32, #tpu.memory_space<hbm>> -> memref<8x4096xf32, #tpu.memory_space<hbm>>
    %dma_wait3A_171 = arith.constant 0 : i32
    %dma_wait3A_172 = tpu.memref_slice %arg2[%add3A_83, %dma_wait3A_171] : memref<4096x4096xf32, #tpu.memory_space<hbm>> -> memref<8x4096xf32, #tpu.memory_space<hbm>>
    tpu.wait_dma2 semaphore(%arg4 : memref<!tpu.dma_semaphore, #tpu.memory_space<semaphore_mem>>) src(%arg3 : memref<8x4096xf32, #tpu.memory_space<vmem>>) dst(%dma_wait3A_172 : memref<8x4096xf32, #tpu.memory_space<hbm>>)
    %dma_wait3A_173 = arith.constant 0 : i32
    %dma_wait3A_174 = tpu.memref_slice %arg2[%add3A_89, %dma_wait3A_173] : memref<4096x4096xf32, #tpu.memory_space<hbm>> -> memref<8x4096xf32, #tpu.memory_space<hbm>>
    %dma_wait3A_175 = arith.constant 0 : i32
    %dma_wait3A_176 = tpu.memref_slice %arg2[%add3A_89, %dma_wait3A_175] : memref<4096x4096xf32, #tpu.memory_space<hbm>> -> memref<8x4096xf32, #tpu.memory_space<hbm>>
    tpu.wait_dma2 semaphore(%arg4 : memref<!tpu.dma_semaphore, #tpu.memory_space<semaphore_mem>>) src(%arg3 : memref<8x4096xf32, #tpu.memory_space<vmem>>) dst(%dma_wait3A_176 : memref<8x4096xf32, #tpu.memory_space<hbm>>)
    %dma_wait3A_177 = arith.constant 0 : i32
    %dma_wait3A_178 = tpu.memref_slice %arg2[%add3A_95, %dma_wait3A_177] : memref<4096x4096xf32, #tpu.memory_space<hbm>> -> memref<8x4096xf32, #tpu.memory_space<hbm>>
    %dma_wait3A_179 = arith.constant 0 : i32
    %dma_wait3A_180 = tpu.memref_slice %arg2[%add3A_95, %dma_wait3A_179] : memref<4096x4096xf32, #tpu.memory_space<hbm>> -> memref<8x4096xf32, #tpu.memory_space<hbm>>
    tpu.wait_dma2 semaphore(%arg4 : memref<!tpu.dma_semaphore, #tpu.memory_space<semaphore_mem>>) src(%arg3 : memref<8x4096xf32, #tpu.memory_space<vmem>>) dst(%dma_wait3A_180 : memref<8x4096xf32, #tpu.memory_space<hbm>>)
    %dma_wait3A_181 = arith.constant 0 : i32
    %dma_wait3A_182 = tpu.memref_slice %arg2[%add3A_101, %dma_wait3A_181] : memref<4096x4096xf32, #tpu.memory_space<hbm>> -> memref<8x4096xf32, #tpu.memory_space<hbm>>
    %dma_wait3A_183 = arith.constant 0 : i32
    %dma_wait3A_184 = tpu.memref_slice %arg2[%add3A_101, %dma_wait3A_183] : memref<4096x4096xf32, #tpu.memory_space<hbm>> -> memref<8x4096xf32, #tpu.memory_space<hbm>>
    tpu.wait_dma2 semaphore(%arg4 : memref<!tpu.dma_semaphore, #tpu.memory_space<semaphore_mem>>) src(%arg3 : memref<8x4096xf32, #tpu.memory_space<vmem>>) dst(%dma_wait3A_184 : memref<8x4096xf32, #tpu.memory_space<hbm>>)
    %dma_wait3A_185 = arith.constant 0 : i32
    %dma_wait3A_186 = tpu.memref_slice %arg2[%add3A_107, %dma_wait3A_185] : memref<4096x4096xf32, #tpu.memory_space<hbm>> -> memref<8x4096xf32, #tpu.memory_space<hbm>>
    %dma_wait3A_187 = arith.constant 0 : i32
    %dma_wait3A_188 = tpu.memref_slice %arg2[%add3A_107, %dma_wait3A_187] : memref<4096x4096xf32, #tpu.memory_space<hbm>> -> memref<8x4096xf32, #tpu.memory_space<hbm>>
    tpu.wait_dma2 semaphore(%arg4 : memref<!tpu.dma_semaphore, #tpu.memory_space<semaphore_mem>>) src(%arg3 : memref<8x4096xf32, #tpu.memory_space<vmem>>) dst(%dma_wait3A_188 : memref<8x4096xf32, #tpu.memory_space<hbm>>)
    %dma_wait3A_189 = arith.constant 0 : i32
    %dma_wait3A_190 = tpu.memref_slice %arg2[%add3A_113, %dma_wait3A_189] : memref<4096x4096xf32, #tpu.memory_space<hbm>> -> memref<8x4096xf32, #tpu.memory_space<hbm>>
    %dma_wait3A_191 = arith.constant 0 : i32
    %dma_wait3A_192 = tpu.memref_slice %arg2[%add3A_113, %dma_wait3A_191] : memref<4096x4096xf32, #tpu.memory_space<hbm>> -> memref<8x4096xf32, #tpu.memory_space<hbm>>
    tpu.wait_dma2 semaphore(%arg4 : memref<!tpu.dma_semaphore, #tpu.memory_space<semaphore_mem>>) src(%arg3 : memref<8x4096xf32, #tpu.memory_space<vmem>>) dst(%dma_wait3A_192 : memref<8x4096xf32, #tpu.memory_space<hbm>>)
    %dma_wait3A_193 = arith.constant 0 : i32
    %dma_wait3A_194 = tpu.memref_slice %arg2[%add3A_119, %dma_wait3A_193] : memref<4096x4096xf32, #tpu.memory_space<hbm>> -> memref<8x4096xf32, #tpu.memory_space<hbm>>
    %dma_wait3A_195 = arith.constant 0 : i32
    %dma_wait3A_196 = tpu.memref_slice %arg2[%add3A_119, %dma_wait3A_195] : memref<4096x4096xf32, #tpu.memory_space<hbm>> -> memref<8x4096xf32, #tpu.memory_space<hbm>>
    tpu.wait_dma2 semaphore(%arg4 : memref<!tpu.dma_semaphore, #tpu.memory_space<semaphore_mem>>) src(%arg3 : memref<8x4096xf32, #tpu.memory_space<vmem>>) dst(%dma_wait3A_196 : memref<8x4096xf32, #tpu.memory_space<hbm>>)
    %dma_wait3A_197 = arith.constant 0 : i32
    %dma_wait3A_198 = tpu.memref_slice %arg2[%add3A_125, %dma_wait3A_197] : memref<4096x4096xf32, #tpu.memory_space<hbm>> -> memref<8x4096xf32, #tpu.memory_space<hbm>>
    %dma_wait3A_199 = arith.constant 0 : i32
    %dma_wait3A_200 = tpu.memref_slice %arg2[%add3A_125, %dma_wait3A_199] : memref<4096x4096xf32, #tpu.memory_space<hbm>> -> memref<8x4096xf32, #tpu.memory_space<hbm>>
    tpu.wait_dma2 semaphore(%arg4 : memref<!tpu.dma_semaphore, #tpu.memory_space<semaphore_mem>>) src(%arg3 : memref<8x4096xf32, #tpu.memory_space<vmem>>) dst(%dma_wait3A_200 : memref<8x4096xf32, #tpu.memory_space<hbm>>)
    %dma_wait3A_201 = arith.constant 0 : i32
    %dma_wait3A_202 = tpu.memref_slice %arg2[%add3A_131, %dma_wait3A_201] : memref<4096x4096xf32, #tpu.memory_space<hbm>> -> memref<8x4096xf32, #tpu.memory_space<hbm>>
    %dma_wait3A_203 = arith.constant 0 : i32
    %dma_wait3A_204 = tpu.memref_slice %arg2[%add3A_131, %dma_wait3A_203] : memref<4096x4096xf32, #tpu.memory_space<hbm>> -> memref<8x4096xf32, #tpu.memory_space<hbm>>
    tpu.wait_dma2 semaphore(%arg4 : memref<!tpu.dma_semaphore, #tpu.memory_space<semaphore_mem>>) src(%arg3 : memref<8x4096xf32, #tpu.memory_space<vmem>>) dst(%dma_wait3A_204 : memref<8x4096xf32, #tpu.memory_space<hbm>>)
    %dma_wait3A_205 = arith.constant 0 : i32
    %dma_wait3A_206 = tpu.memref_slice %arg2[%add3A_137, %dma_wait3A_205] : memref<4096x4096xf32, #tpu.memory_space<hbm>> -> memref<8x4096xf32, #tpu.memory_space<hbm>>
    %dma_wait3A_207 = arith.constant 0 : i32
    %dma_wait3A_208 = tpu.memref_slice %arg2[%add3A_137, %dma_wait3A_207] : memref<4096x4096xf32, #tpu.memory_space<hbm>> -> memref<8x4096xf32, #tpu.memory_space<hbm>>
    tpu.wait_dma2 semaphore(%arg4 : memref<!tpu.dma_semaphore, #tpu.memory_space<semaphore_mem>>) src(%arg3 : memref<8x4096xf32, #tpu.memory_space<vmem>>) dst(%dma_wait3A_208 : memref<8x4096xf32, #tpu.memory_space<hbm>>)
    %dma_wait3A_209 = arith.constant 0 : i32
    %dma_wait3A_210 = tpu.memref_slice %arg2[%add3A_143, %dma_wait3A_209] : memref<4096x4096xf32, #tpu.memory_space<hbm>> -> memref<8x4096xf32, #tpu.memory_space<hbm>>
    %dma_wait3A_211 = arith.constant 0 : i32
    %dma_wait3A_212 = tpu.memref_slice %arg2[%add3A_143, %dma_wait3A_211] : memref<4096x4096xf32, #tpu.memory_space<hbm>> -> memref<8x4096xf32, #tpu.memory_space<hbm>>
    tpu.wait_dma2 semaphore(%arg4 : memref<!tpu.dma_semaphore, #tpu.memory_space<semaphore_mem>>) src(%arg3 : memref<8x4096xf32, #tpu.memory_space<vmem>>) dst(%dma_wait3A_212 : memref<8x4096xf32, #tpu.memory_space<hbm>>)
    %dma_wait3A_213 = arith.constant 0 : i32
    %dma_wait3A_214 = tpu.memref_slice %arg2[%add3A_149, %dma_wait3A_213] : memref<4096x4096xf32, #tpu.memory_space<hbm>> -> memref<8x4096xf32, #tpu.memory_space<hbm>>
    %dma_wait3A_215 = arith.constant 0 : i32
    %dma_wait3A_216 = tpu.memref_slice %arg2[%add3A_149, %dma_wait3A_215] : memref<4096x4096xf32, #tpu.memory_space<hbm>> -> memref<8x4096xf32, #tpu.memory_space<hbm>>
    tpu.wait_dma2 semaphore(%arg4 : memref<!tpu.dma_semaphore, #tpu.memory_space<semaphore_mem>>) src(%arg3 : memref<8x4096xf32, #tpu.memory_space<vmem>>) dst(%dma_wait3A_216 : memref<8x4096xf32, #tpu.memory_space<hbm>>)
    return
  }
}

module attributes {stable_mosaic.version = 14 : i64} {
  func.func @_tc_patch_kernel(%arg0: i32, %arg1: memref<128xf32, #tpu.memory_space<vmem>>, %arg2: memref<128xf32, #tpu.memory_space<vmem>>, %arg3: memref<128xf32, #tpu.memory_space<vmem>>, %arg4: memref<4096x4096xf32, #tpu.memory_space<any>>, %arg5: memref<128x128xf32, #tpu.memory_space<vmem>>) attributes {dimension_semantics = [#tpu.dimension_semantics<arbitrary>], iteration_bounds = array<i64: 32>, scalar_prefetch = 0 : i64, scratch_operands = 0 : i64, tpu.core_type = #tpu.core_type<tc>, window_params = [{transform_indices = @transform_0, window_bounds = array<i64: 128>}, {transform_indices = @transform_1, window_bounds = array<i64: 128>}, {transform_indices = @transform_2, window_bounds = array<i64: 128>}, {}, {transform_indices = @transform_4, window_bounds = array<i64: 128, 128>}]} {
    %get3A = arith.constant 0 : index
    %get3A_0 = vector.load %arg1[%get3A] : memref<128xf32, #tpu.memory_space<vmem>>, vector<128xf32>
    %get3A_1 = arith.constant 0 : index
    %get3A_2 = vector.load %arg2[%get3A_1] : memref<128xf32, #tpu.memory_space<vmem>>, vector<128xf32>
    %get3A_3 = arith.constant 0 : index
    %get3A_4 = vector.load %arg3[%get3A_3] : memref<128xf32, #tpu.memory_space<vmem>>, vector<128xf32>
    %gt3A = arith.constant 0.000000e+00 : f32
    %gt3A_5 = vector.broadcast %gt3A : f32 to vector<128xf32>
    %gt3A_6 = arith.cmpf ogt, %get3A_0, %gt3A_5 : vector<128xf32>
    %lt3A = arith.constant 0.000000e+00 : f32
    %lt3A_7 = vector.broadcast %lt3A : f32 to vector<128xf32>
    %lt3A_8 = arith.cmpf olt, %get3A_2, %lt3A_7 : vector<128xf32>
    %and3A = arith.andi %gt3A_6, %lt3A_8 : vector<128xi1>
    %jit3A = arith.constant 0.000000e+00 : f32
    %jit3A_9 = arith.constant 1.000000e+00 : f32
    %max3A = vector.broadcast %jit3A : f32 to vector<128xf32>
    %max3A_10 = arith.maximumf %max3A, %get3A_4 : vector<128xf32>
    %min3A = vector.broadcast %jit3A_9 : f32 to vector<128xf32>
    %min3A_11 = arith.minimumf %min3A, %max3A_10 : vector<128xf32>
    %jit3A_12 = arith.constant 1.000000e+00 : f32
    %broadcast_in_dim3A = vector.broadcast %jit3A_12 : f32 to vector<128xf32>
    %select_n3A = arith.select %and3A, %min3A_11, %broadcast_in_dim3A : vector<128xi1>, vector<128xf32>
    %iota3A = tpu.iota {dimensions = array<i32: 0>} : vector<128x128xi32>
    %iota3A_13 = tpu.iota {dimensions = array<i32: 1>} : vector<128x128xi32>
    %eq3A = arith.cmpi eq, %iota3A, %iota3A_13 : vector<128x128xi32>
    %broadcast_in_dim3A_14 = vector.shape_cast %select_n3A : vector<128xf32> to vector<128x1xf32>
    %jit3A_15 = arith.constant 0.000000e+00 : f32
    %broadcast_in_dim3A_16 = vector.shape_cast %broadcast_in_dim3A_14 : vector<128x1xf32> to vector<128x1xf32>
    %broadcast_in_dim3A_17 = vector.broadcast %broadcast_in_dim3A_16 : vector<128x1xf32> to vector<128x128xf32>
    %broadcast_in_dim3A_18 = vector.broadcast %jit3A_15 : f32 to vector<128x128xf32>
    %select_n3A_19 = arith.select %eq3A, %broadcast_in_dim3A_17, %broadcast_in_dim3A_18 : vector<128x128xi1>, vector<128x128xf32>
    %swap3A = arith.constant 0 : index
    %swap3A_20 = arith.constant 0 : index
    %swap3A_21 = vector.load %arg5[%swap3A, %swap3A_20] : memref<128x128xf32, #tpu.memory_space<vmem>>, vector<128x128xf32>
    tpu.vector_store %arg5[%swap3A, %swap3A_20], %select_n3A_19 {strides = array<i32>} : memref<128x128xf32, #tpu.memory_space<vmem>>, vector<128x128xf32>,
    return
  }
  func.func @transform_0(%arg0: i32) -> i32 {
    %c0_i32 = arith.constant 0 : i32
    return %arg0 : i32
  }
  func.func @transform_1(%arg0: i32) -> i32 {
    %c0_i32 = arith.constant 0 : i32
    return %arg0 : i32
  }
  func.func @transform_2(%arg0: i32) -> i32 {
    %c0_i32 = arith.constant 0 : i32
    return %arg0 : i32
  }
  func.func @transform_4(%arg0: i32) -> (i32, i32) {
    %c0_i32 = arith.constant 0 : i32
    return %arg0, %arg0 : i32, i32
  }
}

module attributes {stable_mosaic.version = 14 : i64} {
  func.func @_tc_kernel(%arg0: i32, %arg1: memref<256xf32, #tpu.memory_space<vmem>>, %arg2: memref<256xf32, #tpu.memory_space<vmem>>, %arg3: memref<256x2048xf32, #tpu.memory_space<vmem>>, %arg4: memref<256xf32, #tpu.memory_space<vmem>>, %arg5: memref<256x2048xf32, #tpu.memory_space<vmem>>, %arg6: memref<256xf32, #tpu.memory_space<vmem>>, %arg7: memref<256xf32, #tpu.memory_space<vmem>>, %arg8: memref<256xf32, #tpu.memory_space<vmem>>, %arg9: memref<256xf32, #tpu.memory_space<vmem>>, %arg10: memref<256x2048xf32, #tpu.memory_space<vmem>>, %arg11: memref<256xf32, #tpu.memory_space<vmem>>, %arg12: memref<256x2048xf32, #tpu.memory_space<vmem>>, %arg13: memref<256xf32, #tpu.memory_space<vmem>>, %arg14: memref<256x4096xf32, #tpu.memory_space<vmem>>, %arg15: memref<256xf32, #tpu.memory_space<vmem>>, %arg16: memref<256xf32, #tpu.memory_space<vmem>>) attributes {dimension_semantics = [#tpu.dimension_semantics<arbitrary>], iteration_bounds = array<i64: 16>, scalar_prefetch = 0 : i64, scratch_operands = 0 : i64, tpu.core_type = #tpu.core_type<tc>, window_params = [{transform_indices = @transform_0, window_bounds = array<i64: 256>}, {transform_indices = @transform_1, window_bounds = array<i64: 256>}, {transform_indices = @transform_2, window_bounds = array<i64: 256, 2048>}, {transform_indices = @transform_3, window_bounds = array<i64: 256>}, {transform_indices = @transform_4, window_bounds = array<i64: 256, 2048>}, {transform_indices = @transform_5, window_bounds = array<i64: 256>}, {transform_indices = @transform_6, window_bounds = array<i64: 256>}, {transform_indices = @transform_7, window_bounds = array<i64: 256>}, {transform_indices = @transform_8, window_bounds = array<i64: 256>}, {transform_indices = @transform_9, window_bounds = array<i64: 256, 2048>}, {transform_indices = @transform_10, window_bounds = array<i64: 256>}, {transform_indices = @transform_11, window_bounds = array<i64: 256, 2048>}, {transform_indices = @transform_12, window_bounds = array<i64: 256>}, {transform_indices = @transform_13, window_bounds = array<i64: 256, 4096>}, {transform_indices = @transform_14, window_bounds = array<i64: 256>}, {transform_indices = @transform_15, window_bounds = array<i64: 256>}]} {
    %get3A = arith.constant 0 : index
    %get3A_0 = vector.load %arg1[%get3A] : memref<256xf32, #tpu.memory_space<vmem>>, vector<256xf32>
    %get3A_1 = arith.constant 0 : index
    %get3A_2 = vector.load %arg2[%get3A_1] : memref<256xf32, #tpu.memory_space<vmem>>, vector<256xf32>
    %get3A_3 = arith.constant 0 : index
    %get3A_4 = vector.load %arg7[%get3A_3] : memref<256xf32, #tpu.memory_space<vmem>>, vector<256xf32>
    %get3A_5 = arith.constant 0 : index
    %get3A_6 = vector.load %arg4[%get3A_5] : memref<256xf32, #tpu.memory_space<vmem>>, vector<256xf32>
    %get3A_7 = arith.constant 0 : index
    %get3A_8 = vector.load %arg6[%get3A_7] : memref<256xf32, #tpu.memory_space<vmem>>, vector<256xf32>
    %le3A = arith.constant 0.000000e+00 : f32
    %le3A_9 = vector.broadcast %le3A : f32 to vector<256xf32>
    %le3A_10 = arith.cmpf ole, %get3A_0, %le3A_9 : vector<256xf32>
    %ge3A = arith.constant 0.000000e+00 : f32
    %ge3A_11 = vector.broadcast %ge3A : f32 to vector<256xf32>
    %ge3A_12 = arith.cmpf oge, %get3A_2, %ge3A_11 : vector<256xf32>
    %or3A = arith.ori %le3A_10, %ge3A_12 : vector<256xi1>
    %not3A = arith.constant dense<true> : vector<256xi1>
    %not3A_13 = arith.xori %or3A, %not3A : vector<256xi1>
    %jit3A = arith.constant 0.000000e+00 : f32
    %jit3A_14 = arith.constant 1.000000e+00 : f32
    %max3A = vector.broadcast %jit3A : f32 to vector<256xf32>
    %max3A_15 = arith.maximumf %max3A, %get3A_4 : vector<256xf32>
    %min3A = vector.broadcast %jit3A_14 : f32 to vector<256xf32>
    %min3A_16 = arith.minimumf %min3A, %max3A_15 : vector<256xf32>
    %sub3A = arith.subf %get3A_0, %get3A_2 : vector<256xf32>
    %jit3A_17 = arith.constant 1.000000e+00 : f32
    %broadcast_in_dim3A = vector.broadcast %jit3A_17 : f32 to vector<256xf32>
    %select_n3A = arith.select %not3A_13, %sub3A, %broadcast_in_dim3A : vector<256xi1>, vector<256xf32>
    %div3A = arith.divf %get3A_0, %select_n3A : vector<256xf32>
    %jit3A_18 = arith.constant 0.000000e+00 : f32
    %broadcast_in_dim3A_19 = vector.broadcast %jit3A_18 : f32 to vector<256xf32>
    %select_n3A_20 = arith.select %not3A_13, %div3A, %broadcast_in_dim3A_19 : vector<256xi1>, vector<256xf32>
    %neg3A = arith.constant 0.000000e+00 : f32
    %neg3A_21 = vector.broadcast %neg3A : f32 to vector<256xf32>
    %neg3A_22 = arith.subf %neg3A_21, %get3A_2 : vector<256xf32>
    %mul3A = arith.mulf %neg3A_22, %select_n3A_20 : vector<256xf32>
    %jit3A_23 = arith.constant 0.000000e+00 : f32
    %broadcast_in_dim3A_24 = vector.broadcast %jit3A_23 : f32 to vector<256xf32>
    %select_n3A_25 = arith.select %le3A_10, %broadcast_in_dim3A_24, %get3A_0 : vector<256xi1>, vector<256xf32>
    %swap3A = arith.constant 0 : index
    %swap3A_26 = vector.load %arg8[%swap3A] : memref<256xf32, #tpu.memory_space<vmem>>, vector<256xf32>
    tpu.vector_store %arg8[%swap3A], %select_n3A_25 {strides = array<i32>} : memref<256xf32, #tpu.memory_space<vmem>>, vector<256xf32>,
    %mul3A_27 = arith.mulf %min3A_16, %get3A_2 : vector<256xf32>
    %jit3A_28 = arith.constant 0.000000e+00 : f32
    %broadcast_in_dim3A_29 = vector.broadcast %jit3A_28 : f32 to vector<256xf32>
    %select_n3A_30 = arith.select %not3A_13, %mul3A_27, %broadcast_in_dim3A_29 : vector<256xi1>, vector<256xf32>
    %select_n3A_31 = arith.select %ge3A_12, %get3A_2, %select_n3A_30 : vector<256xi1>, vector<256xf32>
    %swap3A_32 = arith.constant 0 : index
    %swap3A_33 = vector.load %arg9[%swap3A_32] : memref<256xf32, #tpu.memory_space<vmem>>, vector<256xf32>
    tpu.vector_store %arg9[%swap3A_32], %select_n3A_31 {strides = array<i32>} : memref<256xf32, #tpu.memory_space<vmem>>, vector<256xf32>,
    %add3A = arith.addf %get3A_6, %mul3A : vector<256xf32>
    %jit3A_34 = arith.constant 0.000000e+00 : f32
    %broadcast_in_dim3A_35 = vector.broadcast %jit3A_34 : f32 to vector<256xf32>
    %select_n3A_36 = arith.select %not3A_13, %add3A, %broadcast_in_dim3A_35 : vector<256xi1>, vector<256xf32>
    %select_n3A_37 = arith.select %ge3A_12, %get3A_6, %select_n3A_36 : vector<256xi1>, vector<256xf32>
    %swap3A_38 = arith.constant 0 : index
    %swap3A_39 = vector.load %arg11[%swap3A_38] : memref<256xf32, #tpu.memory_space<vmem>>, vector<256xf32>
    tpu.vector_store %arg11[%swap3A_38], %select_n3A_37 {strides = array<i32>} : memref<256xf32, #tpu.memory_space<vmem>>, vector<256xf32>,
    %jit3A_40 = arith.constant 0.000000e+00 : f32
    %broadcast_in_dim3A_41 = vector.broadcast %jit3A_40 : f32 to vector<256xf32>
    %select_n3A_42 = arith.select %not3A_13, %get3A_6, %broadcast_in_dim3A_41 : vector<256xi1>, vector<256xf32>
    %select_n3A_43 = arith.select %ge3A_12, %get3A_8, %select_n3A_42 : vector<256xi1>, vector<256xf32>
    %swap3A_44 = arith.constant 0 : index
    %swap3A_45 = vector.load %arg13[%swap3A_44] : memref<256xf32, #tpu.memory_space<vmem>>, vector<256xf32>
    tpu.vector_store %arg13[%swap3A_44], %select_n3A_43 {strides = array<i32>} : memref<256xf32, #tpu.memory_space<vmem>>, vector<256xf32>,
    %jit3A_46 = arith.constant 0.000000e+00 : f32
    %broadcast_in_dim3A_47 = vector.broadcast %jit3A_46 : f32 to vector<256xf32>
    %select_n3A_48 = arith.select %not3A_13, %mul3A, %broadcast_in_dim3A_47 : vector<256xi1>, vector<256xf32>
    %swap3A_49 = arith.constant 0 : index
    %swap3A_50 = vector.load %arg15[%swap3A_49] : memref<256xf32, #tpu.memory_space<vmem>>, vector<256xf32>
    tpu.vector_store %arg15[%swap3A_49], %select_n3A_48 {strides = array<i32>} : memref<256xf32, #tpu.memory_space<vmem>>, vector<256xf32>,
    %broadcast_in_dim3A_51 = arith.constant 0.000000e+00 : f32
    %broadcast_in_dim3A_52 = vector.broadcast %broadcast_in_dim3A_51 : f32 to vector<256xf32>
    %swap3A_53 = arith.constant 0 : index
    %swap3A_54 = vector.load %arg16[%swap3A_53] : memref<256xf32, #tpu.memory_space<vmem>>, vector<256xf32>
    tpu.vector_store %arg16[%swap3A_53], %broadcast_in_dim3A_52 {strides = array<i32>} : memref<256xf32, #tpu.memory_space<vmem>>, vector<256xf32>,
    %jit3A_55 = arith.constant 1.000000e+00 : f32
    %broadcast_in_dim3A_56 = vector.broadcast %jit3A_55 : f32 to vector<256xf32>
    %select_n3A_57 = arith.select %ge3A_12, %broadcast_in_dim3A_56, %select_n3A_20 : vector<256xi1>, vector<256xf32>
    %jit3A_58 = arith.constant 0.000000e+00 : f32
    %broadcast_in_dim3A_59 = vector.broadcast %jit3A_58 : f32 to vector<256xf32>
    %select_n3A_60 = arith.select %not3A_13, %min3A_16, %broadcast_in_dim3A_59 : vector<256xi1>, vector<256xf32>
    %jit3A_61 = arith.constant 1.000000e+00 : f32
    %broadcast_in_dim3A_62 = vector.broadcast %jit3A_61 : f32 to vector<256xf32>
    %select_n3A_63 = arith.select %ge3A_12, %broadcast_in_dim3A_62, %select_n3A_60 : vector<256xi1>, vector<256xf32>
    %broadcast_in_dim3A_64 = vector.shape_cast %select_n3A_57 : vector<256xf32> to vector<256x1xf32>
    %get3A_65 = arith.constant 0 : index
    %get3A_66 = arith.constant 0 : index
    %get3A_67 = vector.load %arg3[%get3A_65, %get3A_66] : memref<256x2048xf32, #tpu.memory_space<vmem>>, vector<256x2048xf32>
    %mul3A_68 = vector.broadcast %broadcast_in_dim3A_64 : vector<256x1xf32> to vector<256x2048xf32>
    %mul3A_69 = arith.mulf %mul3A_68, %get3A_67 : vector<256x2048xf32>
    %swap3A_70 = arith.constant 0 : index
    %swap3A_71 = arith.constant 0 : index
    %swap3A_72 = vector.load %arg10[%swap3A_70, %swap3A_71] : memref<256x2048xf32, #tpu.memory_space<vmem>>, vector<256x2048xf32>
    tpu.vector_store %arg10[%swap3A_70, %swap3A_71], %mul3A_69 {strides = array<i32>} : memref<256x2048xf32, #tpu.memory_space<vmem>>, vector<256x2048xf32>,
    %broadcast_in_dim3A_73 = vector.shape_cast %select_n3A_63 : vector<256xf32> to vector<256x1xf32>
    %get3A_74 = arith.constant 0 : index
    %get3A_75 = arith.constant 0 : index
    %get3A_76 = vector.load %arg5[%get3A_74, %get3A_75] : memref<256x2048xf32, #tpu.memory_space<vmem>>, vector<256x2048xf32>
    %mul3A_77 = vector.broadcast %broadcast_in_dim3A_73 : vector<256x1xf32> to vector<256x2048xf32>
    %mul3A_78 = arith.mulf %mul3A_77, %get3A_76 : vector<256x2048xf32>
    %swap3A_79 = arith.constant 0 : index
    %swap3A_80 = arith.constant 0 : index
    %swap3A_81 = vector.load %arg12[%swap3A_79, %swap3A_80] : memref<256x2048xf32, #tpu.memory_space<vmem>>, vector<256x2048xf32>
    tpu.vector_store %arg12[%swap3A_79, %swap3A_80], %mul3A_78 {strides = array<i32>} : memref<256x2048xf32, #tpu.memory_space<vmem>>, vector<256x2048xf32>,
    %jit3A_82 = arith.constant 1.000000e+00 : f32
    %broadcast_in_dim3A_83 = vector.broadcast %jit3A_82 : f32 to vector<256xf32>
    %select_n3A_84 = arith.select %not3A_13, %select_n3A_20, %broadcast_in_dim3A_83 : vector<256xi1>, vector<256xf32>
    %iota3A = tpu.iota {dimensions = array<i32: 0>} : vector<256x4096xi32>
    %mul3A_85 = arith.constant 256 : i32
    %mul3A_86 = arith.muli %arg0, %mul3A_85 : i32
    %add3A_87 = vector.broadcast %mul3A_86 : i32 to vector<256x4096xi32>
    %add3A_88 = arith.addi %iota3A, %add3A_87 : vector<256x4096xi32>
    %iota3A_89 = tpu.iota {dimensions = array<i32: 1>} : vector<256x4096xi32>
    %eq3A = arith.cmpi eq, %add3A_88, %iota3A_89 : vector<256x4096xi32>
    %broadcast_in_dim3A_90 = vector.shape_cast %select_n3A_84 : vector<256xf32> to vector<256x1xf32>
    %jit3A_91 = arith.constant 0.000000e+00 : f32
    %broadcast_in_dim3A_92 = vector.shape_cast %broadcast_in_dim3A_90 : vector<256x1xf32> to vector<256x1xf32>
    %broadcast_in_dim3A_93 = vector.broadcast %broadcast_in_dim3A_92 : vector<256x1xf32> to vector<256x4096xf32>
    %broadcast_in_dim3A_94 = vector.broadcast %jit3A_91 : f32 to vector<256x4096xf32>
    %select_n3A_95 = arith.select %eq3A, %broadcast_in_dim3A_93, %broadcast_in_dim3A_94 : vector<256x4096xi1>, vector<256x4096xf32>
    %swap3A_96 = arith.constant 0 : index
    %swap3A_97 = arith.constant 0 : index
    %swap3A_98 = vector.load %arg14[%swap3A_96, %swap3A_97] : memref<256x4096xf32, #tpu.memory_space<vmem>>, vector<256x4096xf32>
    tpu.vector_store %arg14[%swap3A_96, %swap3A_97], %select_n3A_95 {strides = array<i32>} : memref<256x4096xf32, #tpu.memory_space<vmem>>, vector<256x4096xf32>,
    return
  }
  func.func @transform_0(%arg0: i32) -> i32 {
    %c0_i32 = arith.constant 0 : i32
    return %arg0 : i32
  }
  func.func @transform_1(%arg0: i32) -> i32 {
    %c0_i32 = arith.constant 0 : i32
    return %arg0 : i32
  }
  func.func @transform_2(%arg0: i32) -> (i32, i32) {
    %c0_i32 = arith.constant 0 : i32
    %c0_i32_0 = arith.constant 0 : i32
    return %arg0, %c0_i32 : i32, i32
  }
  func.func @transform_3(%arg0: i32) -> i32 {
    %c0_i32 = arith.constant 0 : i32
    return %arg0 : i32
  }
  func.func @transform_4(%arg0: i32) -> (i32, i32) {
    %c0_i32 = arith.constant 0 : i32
    %c0_i32_0 = arith.constant 0 : i32
    return %arg0, %c0_i32 : i32, i32
  }
  func.func @transform_5(%arg0: i32) -> i32 {
    %c0_i32 = arith.constant 0 : i32
    return %arg0 : i32
  }
  func.func @transform_6(%arg0: i32) -> i32 {
    %c0_i32 = arith.constant 0 : i32
    return %arg0 : i32
  }
  func.func @transform_7(%arg0: i32) -> i32 {
    %c0_i32 = arith.constant 0 : i32
    return %arg0 : i32
  }
  func.func @transform_8(%arg0: i32) -> i32 {
    %c0_i32 = arith.constant 0 : i32
    return %arg0 : i32
  }
  func.func @transform_9(%arg0: i32) -> (i32, i32) {
    %c0_i32 = arith.constant 0 : i32
    %c0_i32_0 = arith.constant 0 : i32
    return %arg0, %c0_i32 : i32, i32
  }
  func.func @transform_10(%arg0: i32) -> i32 {
    %c0_i32 = arith.constant 0 : i32
    return %arg0 : i32
  }
  func.func @transform_11(%arg0: i32) -> (i32, i32) {
    %c0_i32 = arith.constant 0 : i32
    %c0_i32_0 = arith.constant 0 : i32
    return %arg0, %c0_i32 : i32, i32
  }
  func.func @transform_12(%arg0: i32) -> i32 {
    %c0_i32 = arith.constant 0 : i32
    return %arg0 : i32
  }
  func.func @transform_13(%arg0: i32) -> (i32, i32) {
    %c0_i32 = arith.constant 0 : i32
    %c0_i32_0 = arith.constant 0 : i32
    return %arg0, %c0_i32 : i32, i32
  }
  func.func @transform_14(%arg0: i32) -> i32 {
    %c0_i32 = arith.constant 0 : i32
    return %arg0 : i32
  }
  func.func @transform_15(%arg0: i32) -> i32 {
    %c0_i32 = arith.constant 0 : i32
    return %arg0 : i32
  }
}

</mosaic_0001>

<sc_bundles>
// kernel: kernel.5.cloned.1.call-start
scs
__scs_entry_jumppad:
0x0: {  	(pc) =	sbr.rel $0x88, $3  }
0x1: {  	(tag) =	ssettag $0x0;
	lr =	simm.s32 $0x1  }
0x2: {  	[smem:$0x3F9A] =	sst lr;
	_ =	strace $0xD0000000  }
0x3: {  	_ = 	snop  }
0x4: {  	_ = 	snop  }
0x5: {  	_ = 	snop  }
0x6: {  	_ = 	snop  }
0x7: {  	_ = 	snop  }
__scs_overlays_trampoline_lowered:
0x8: {  	[smem:$0x3FA9] =	sst s0  }
0x9: {  	[smem:$0x3FAA] =	sst s1  }
0xa: {  	[smem:$0x3FAB] =	sst s2  }
0xb: {  	[smem:$0x3FAC] =	sst s3  }
0xc: {  	[smem:$0x3FAD] =	sst s4  }
0xd: {  	[smem:$0x3FAE] =	sst s5  }
0xe: {  	[smem:$0x3FAF] =	sst s6  }
0xf: {  	[smem:$0x3FB0] =	sst s7  }
0x10: {  	[smem:$0x3FB1] =	sst s8  }
0x11: {  	[smem:$0x3FB2] =	sst s9;
	s0 =	simm.s32 @!p0 $0x0  }
0x12: {  	s1 =	sld [smem:$0x3F98];
	s0 =	simm.s32 @p0 $0x1  }
0x13: {  	[smem:$0x3FB3] =	sst s0;
	s0 =	simm.s32 @!p1 $0x0  }
0x14: {  	s2 =	sld [smem:$0x3F97];
	s0 =	simm.s32 @p1 $0x1  }
0x15: {  	[smem:$0x3FB4] =	sst s0;
	s0 =	simm.s32 @!p2 $0x0  }
0x16: {  	s3 =	sld [smem:$0x3FDB];
	s0 =	simm.s32 @p2 $0x1  }
0x17: {  	s4 =	simm.s32 $0x1BF5;
	[smem:$0x3FB6] =	sst s0  }
0x18: {  	s0 =	sld [smem:$0x3F99];
	_ =	swait.ge [sflag:s4], $0x0  }
0x19: {  	s7 =	sld [smem:$0x3F9A]  }
0x1a: {  	s8 =	sadd.s32 $0xFFFFE003, lr  }
0x1b: {  	s9 =	sadd.s32 $0xFFFFFEF7, lr;
	s5 =	simm.s32 $0xFFFFFFFF;
	p2 =	slt.u32 s8, $0xFFFFF086  }
0x1c: {  	p1 =	slt.u32 s9, $0xF7A;
	s5 =	simm.s32 @!p2 $0x0  }
0x1d: {  	s5 =	simm.s32 @p1 $0x1;
	p0 =	seq.s32 s7, s2  }
0x1e: {  	s7 =	smul.u32 @!p0 $0xF7A, s2;
	p2 =	seq.s32 @!p0 s5, $0x0  }
0x1f: {  	s9 =	smul.u32 $0xF7A, s1;
	s8 =	simm.s32 @!p0 $0x1BF5;
	p2 =	por !p2, p0  }
0x20: {  	[sflag:s8] =	ssyncset.s32 @!p0 $0xFFFFF086;
	s6 =	sadd.s32 @!p0 s3, s7;
	s7 =	simm.s32 @!p0 $0x108  }
0x21: {  	s3 =	sadd.s32 s3, s9;
	s6 =	sadd.s32 @!p0 $0x88, s6;
	s7 =	simm.s32 @p2 $0x1082  }
0x22: {  	[simem:s7], [sflag:s8] =	dma.local @!p0 [hbm:s6], $0xF7A  }
0x23: {  	s9 =	sor.u32 $0xD0000000, s2;
	s6 =	simm.s32 $0x108;
	_ =	swait.ge @!p0 [sflag:s8], $0x0  }
0x24: {  	s3 =	sadd.s32 $0x88, s3;
	s6 =	simm.s32 @!p1 $0x1082;
	[sflag:s4] =	ssyncset.s32 $0xFFFFF086  }
0x25: {  	[simem:s6], [sflag:s4] =	dma.local [hbm:s3], $0xF7A  }
0x26: {  	[smem:$0x3F9A] =	sst s1;
	(tag) =	ssettag s2;
	_ =	strace s9  }
0x27: {  	s1 =	sld [smem:$0x3FAA]  }
0x28: {  	s2 =	sld [smem:$0x3FAB]  }
0x29: {  	s4 =	sld [smem:$0x3FAD]  }
0x2a: {  	p0 =	seq.s32 s5, $0x0;
	s5 =	sld [smem:$0x3FAE]  }
0x2b: {  	s6 =	sld [smem:$0x3FAF]  }
0x2c: {  	s7 =	sld [smem:$0x3FB0]  }
0x2d: {  	s3 =	simm.s32 $0x108;
	s8 =	sld [smem:$0x3FB1]  }
0x2e: {  	s3 =	simm.s32 @!p0 $0x1082;
	s9 =	sld [smem:$0x3FB2]  }
0x2f: {  	lr =	sadd.s32 s0, s3;
	s0 =	sld [smem:$0x3FA9]  }
0x30: {  	s3 =	sld [smem:$0x3FAC]  }
0x31: {  	[smem:$0x3FB5] =	sst s10  }
0x32: {  	s10 =	sld [smem:$0x3FB3];
	_ =	sdelay $0x3  }
0x33: {  	p0 =	seq.s32 s10, $0x1;
	s10 =	sld [smem:$0x3FB5];
	_ =	sdelay $0x3  }
0x34: {  	[smem:$0x3FB5] =	sst s10  }
0x35: {  	s10 =	sld [smem:$0x3FB4];
	_ =	sdelay $0x3  }
0x36: {  	p1 =	seq.s32 s10, $0x1;
	s10 =	sld [smem:$0x3FB5];
	_ =	sdelay $0x3  }
0x37: {  	[smem:$0x3FB5] =	sst s10  }
0x38: {  	s10 =	sld [smem:$0x3FB6]  }
0x39: {  	_ = 	snop;
	(pc) =	sbr.ind lr, $3  }
0x3a: {  	_ = 	snop  }
0x3b: {  	_ = 	snop  }
0x3c: {  	p2 =	seq.s32 s10, $0x1;
	s10 =	sld [smem:$0x3FB5]  }
0x3d: {  	_ =	shalt  }
0x3e: {  	_ =	shalt  }
0x3f: {  	_ =	shalt  }
0x40: {  	_ =	shalt  }
0x41: {  	_ =	shalt  }
0x42: {  	_ =	shalt  }
0x43: {  	_ =	shalt  }
0x44: {  	_ =	shalt  }
0x45: {  	_ =	shalt  }
0x46: {  	_ =	shalt  }
0x47: {  	_ =	shalt  }
0x48: {  	_ =	shalt  }
0x49: {  	_ =	shalt  }
0x4a: {  	_ =	shalt  }
0x4b: {  	_ =	shalt  }
0x4c: {  	_ =	shalt  }
0x4d: {  	_ =	shalt  }
0x4e: {  	_ =	shalt  }
0x4f: {  	_ =	shalt  }
0x50: {  	_ =	shalt  }
0x51: {  	_ =	shalt  }
0x52: {  	_ =	shalt  }
0x53: {  	_ =	shalt  }
0x54: {  	_ =	shalt  }
0x55: {  	_ =	shalt  }
0x56: {  	_ =	shalt  }
0x57: {  	_ =	shalt  }
0x58: {  	_ =	shalt  }
0x59: {  	_ =	shalt  }
0x5a: {  	_ =	shalt  }
0x5b: {  	_ =	shalt  }
0x5c: {  	_ =	shalt  }
0x5d: {  	_ =	shalt  }
0x5e: {  	_ =	shalt  }
0x5f: {  	_ =	shalt  }
0x60: {  	_ =	shalt  }
0x61: {  	_ =	shalt  }
0x62: {  	_ =	shalt  }
0x63: {  	_ =	shalt  }
0x64: {  	_ =	shalt  }
0x65: {  	_ =	shalt  }
0x66: {  	_ =	shalt  }
0x67: {  	_ =	shalt  }
0x68: {  	_ =	shalt  }
0x69: {  	_ =	shalt  }
0x6a: {  	_ =	shalt  }
0x6b: {  	_ =	shalt  }
0x6c: {  	_ =	shalt  }
0x6d: {  	_ =	shalt  }
0x6e: {  	_ =	shalt  }
0x6f: {  	_ =	shalt  }
0x70: {  	_ =	shalt  }
0x71: {  	_ =	shalt  }
0x72: {  	_ =	shalt  }
0x73: {  	_ =	shalt  }
0x74: {  	_ =	shalt  }
0x75: {  	_ =	shalt  }
0x76: {  	_ =	shalt  }
0x77: {  	_ =	shalt  }
0x78: {  	_ =	shalt  }
0x79: {  	_ =	shalt  }
0x7a: {  	_ =	shalt  }
0x7b: {  	_ =	shalt  }
0x7c: {  	_ =	shalt  }
0x7d: {  	_ =	shalt  }
0x7e: {  	_ =	shalt  }
0x7f: {  	_ =	shalt  }
0x80: {  	_ =	shalt  }
0x81: {  	_ =	shalt  }
0x82: {  	_ =	shalt  }
0x83: {  	_ =	shalt  }
0x84: {  	_ =	shalt  }
0x85: {  	_ =	shalt  }
0x86: {  	_ =	shalt  }
0x87: {  	_ =	shalt  }
.Lfunc_end0:
.L_simem_size_0:
called_computation_lowered:
.L_overlay_start_0:
0x88: {  	s2 =	sld [smem:$0x3FD9]  }
0x89: {  	s3 =	sld [smem:$0x3FFE];
	_ =	sdelay $0x1  }
0x8a: {  	s1 =	srdreg.scid  }
0x8b: {  	s0 =	sand.u32 $0x1, s1  }
0x8c: {  	s15 =	sshll.u32 s0, $0xA;
	s2 =	sadd.s32 s3, s2  }
0x8d: {  	s2 =	sadd.s32 s2, s15  }
0x8e: {  	[smem:$0x3FC1] =	sst s2  }
0x8f: {  	_ = 	snop  }
0x90: {  	s2 =	sld [smem:$0x3FD0];
	_ =	sdelay $0x3  }
0x91: {  	s16 =	simm.s32 $0xA;
	s4 =	simm.s32 $0x10;
	s2 =	sadd.s32 $0x1, s2  }
0x92: {  	[smem:s4], [sflag:s16] =	dma.local [hbm:s2], $0x1  }
0x93: {  	_ =	swait.eq [sflag:s16], $0x1  }
0x94: {  	[sflag:s16] =	ssyncset.done $0x0  }
0x95: {  	[sflag:s16] =	ssyncadd.s32 $0xFFFFFFFF  }
0x96: {  	s17 =	sld [smem:$0x10];
	(tm) =	ssettm $0x1  }
0x97: {  	s18 =	sld [smem:$0x3FFB];
	_ =	sdelay $0x3  }
0x98: {  	_ =	strace s18  }
0x99: {  	s3 =	sld [smem:$0x3FFC];
	_ =	sdelay $0x3  }
0x9a: {  	_ =	strace s3  }
0x9b: {  	s3 =	sld [smem:$0x3FFD];
	_ =	sdelay $0x3  }
0x9c: {  	_ =	strace s3  }
0x9d: {  	_ =	strace $0x8FFFFFFF  }
0x9e: {  	s19 =	sld [smem:$0x3FDB];
	_ =	sdelay $0x1  }
0x9f: {  	s20 =	simm.s32 $_scs_section_size  }
0xa0: {  	s5 =	simm.s32 $_size__tile_overlayer_lowered;
	s6 =	simm.s32 $_tile_overlayer_lowered  }
0xa1: {  	s23 =	simm.s32 $0x1BFF;
	s22 =	sshll.u32 s6, $0x1;
	s3 =	sadd.s32 s20, s19  }
0xa2: {  	s7 =	simm.s32 $0x0;
	s21 =	sshll.u32 s5, $0x1;
	s5 =	sadd.s32 s22, s3  }
0xa3: {  	[timem:s7], [sflag:s23] =	dma.local [hbm:s5], s21  }
0xa4: {  	_ =	swait.ge [sflag:s23], s21  }
0xa5: {  	s4 =	ssub.s32 $0x0, s21;
	[sflag:s23] =	ssyncset.done $0x0  }
0xa6: {  	[sflag:s23] =	ssyncadd.s32 s4;
	_ =	sdelay $0x1  }
0xa7: {  	s24 =	simm.s32 $0x1B8B  }
0xa8: {  	_ =	swait.ge [sflag:s24], $0x1  }
0xa9: {  	[sflag:s24] =	ssyncset.done $0x0  }
0xaa: {  	s25 =	simm.s32 $0x1B8E;
	[sflag:s24] =	ssyncadd.s32 $0xFFFFFFFF  }
0xab: {  	s26 =	simm.s32 $execute0_lowered;
	[smem:$0x3FD2] =	sst s25  }
0xac: {  	s4 =	sshll.u32 s26, $0x1;
	_ =	strace $0x80000046;
	[dreg:$0x1] =	wrdreg $0xFFFFFFFF  }
0xad: {  	s28 =	simm.s32 $_size_execute0_lowered;
	s3 =	sadd.s32 s3, s4;
	[dreg:$0x0] =	wrdreg $0x0  }
0xae: {  	s4 =	sshll.u32 s28, $0x1;
	[dreg:$0x2] =	wrdreg s3  }
0xaf: {  	[dreg:$0x3] =	wrdreg s4  }
0xb0: {  	[dreg:$0x4] =	wrdreg $0xC0  }
0xb1: {  	_ =	task [dreg:s7], $0x5FFFF  }
0xb2: {  	[dreg:$0x1] =	wrdreg $0xFFFFFFFF  }
0xb3: {  	[dreg:$0x0] =	wrdreg $0x60  }
0xb4: {  	[dreg:$0x2] =	wrdreg s17  }
0xb5: {  	[dreg:$0x3] =	wrdreg $0x9  }
0xb6: {  	_ =	task.clear_ibuf [dreg:s7], $0x4FFFF;
	_ =	strace $0x90000046  }
0xb7: {  	s29 =	simm.s32 $0x9;
	_ =	strace $0x80000048  }
0xb8: {  	_ =	swait.ge [sflag:s29], $0x1  }
0xb9: {  	[sflag:s29] =	ssyncadd.s32 $0xFFFFFFFF  }
0xba: {  	_ =	strace $0x90000048  }
0xbb: {  	_ =	sfence  }
0xbc: {  	s30 =	sld [smem:$0x0];
	_ =	sdelay $0x2  }
0xbd: {  	s31 =	sshll.u32 s1, $0xD;
	s1 =	sshrl.u32 s1, $0x2  }
0xbe: {  	s3 =	sand.u32 $0x4000, s31;
	s1 =	sadd.s32 s1, s30  }
0xbf: {  	s0 =	sor.u32 s3, s0;
	s1 =	sshll.u32 s1, $0x11  }
0xc0: {  	s0 =	sor.u32 s1, s0  }
0xc1: {  	s0 =	sadd.s32 $0x8F2B, s0  }
0xc2: {  	[sflag:s0] =	ssyncadd.remote.s32 $0x1  }
0xc3: {  	_ =	sfence.sel $0xFFFF  }
0xc4: {  	[dreg:$0x0] =	wrdreg $0xFFFFFFFF;
	(pc) =	sbr.abs _section_cstart, $3  }
0xc5: {  	[dreg:$0x1] =	wrdreg $0xFFFFFFFF  }
0xc6: {  	_ =	task.clear_ibuf [dreg:s7], $0x2FFFF;
	_ =	strace $0x9FFFFFFF  }
0xc7: {  	(tm) =	ssettm $0x7FFFFFFF  }
tec
execute0_lowered:
.L_overlay_start_1:
0x0: {  	(tag) =	ssettag $0x1  }
0x1: {  	s3 =	rddreg [dreg:$0x0]  }
0x2: {  	s0 =	rddreg [dreg:$0x1];
	s4 =	srdreg.scid  }
0x3: {  	s2 =	simm.s32 $0x0;
	s1 =	stileid.u32;
	s4 =	sand.u32 $0x1, s4  }
0x4: {  	s6 =	sshll.u32 s1, $0x11;
	s5 =	ssub.s32 $0x2, s4;
	s4 =	sshll.u32 s4, $0x10  }
0x5: {  	s20 =	simm.s32 $0x1;
	s21 =	simm.s32 $0x0;
	s4 =	sor.u32 s4, s6  }
0x6: {  	[smem:$0x7FF] =	sst s2;
	s7 =	sshrl.u32 s5, $0x1;
	s3 =	sadd.s32 s3, s4  }
0x7: {  	_ =	strace $0x80000047;
	s19 =	ssub.s32 s5, s7;
	s4 =	sadd.s32 $0x1000, s3  }
0x8: {  	s5 =	sadd.s32 $0x2000, s3;
	s6 =	sadd.s32 $0x3000, s3;
	s7 =	sadd.s32 $0x4000, s3  }
0x9: {  	s8 =	sadd.s32 $0x5000, s3;
	s9 =	sadd.s32 $0x6000, s3;
	s10 =	sadd.s32 $0x7000, s3  }
0xa: {  	s11 =	sadd.s32 $0x8000, s3;
	s12 =	sadd.s32 $0x9000, s3;
	s13 =	sadd.s32 $0xA000, s3  }
0xb: {  	s14 =	sadd.s32 $0xB000, s3;
	s15 =	sadd.s32 $0xC000, s3;
	s16 =	sadd.s32 $0xD000, s3  }
0xc: {  	v0 =	vimm.f32 $0.0e+00;
	s17 =	sadd.s32 $0xE000, s3;
	s18 =	sadd.s32 $0xF000, s3;
	s19 =	smax.u32 s19, $0x1  }
.LBB2_1:
0xd: {  	s22 =	sand.u32 $0x70, s2;
	s23 =	sand.u32 $0x7C00, s2  }
0xe: {  	s22 =	sor.u32 s22, s23  }
0xf: {  	s24 =	simm.s32 $0x0;
	s23 =	simm.s32 $0x10;
	[tilespmem:s22+$0x0] =	vst v0  }
.LBB2_2:
0x10: {  	p0 =	sne.s32 s23, $0xFF0  }
.Ltmp0:
0x11: {  	_ = 	snop;
	(pc) =	sbr.rel @p0 .LBB2_2-.Ltmp0, $4  }
0x12: {  	s24 =	sadd.s32 $0x80, s24  }
0x13: {  	s22 =	sand.u32 $0x70, s23;
	s25 =	sand.u32 $0x7C00, s24  }
0x14: {  	s22 =	sor.u32 s22, s25  }
0x15: {  	s23 =	sadd.s32 $0x10, s23;
	[tilespmem:s22+$0x0] =	vst v0;
	s22 =	simm.s32 $0x0  }
0x16: {  	s23 =	sand.u32 $0x70, s22;
	s24 =	sand.u32 $0x7C00, s22  }
0x17: {  	s23 =	sor.u32 s23, s24  }
0x18: {  	s25 =	simm.s32 $0x0;
	s24 =	simm.s32 $0x10;
	[tilespmem:s23+$0x80] =	vst v0  }
.LBB2_4:
0x19: {  	p0 =	sne.s32 s24, $0xFF0  }
.Ltmp1:
0x1a: {  	_ = 	snop;
	(pc) =	sbr.rel @p0 .LBB2_4-.Ltmp1, $4  }
0x1b: {  	s25 =	sadd.s32 $0x80, s25  }
0x1c: {  	s26 =	sand.u32 $0x70, s24;
	s28 =	sand.u32 $0x7C00, s25  }
0x1d: {  	s26 =	sor.u32 s26, s28  }
0x1e: {  	s24 =	sadd.s32 $0x10, s24;
	[tilespmem:s26+$0x80] =	vst v0  }
0x1f: {  	s24 =	simm.s32 $0x10;
	[tilespmem:s23+$0x100] =	vst v0  }
.LBB2_6:
0x20: {  	p0 =	sne.s32 s24, $0xFF0  }
.Ltmp2:
0x21: {  	_ = 	snop;
	(pc) =	sbr.rel @p0 .LBB2_6-.Ltmp2, $4  }
0x22: {  	s22 =	sadd.s32 $0x80, s22  }
0x23: {  	s23 =	sand.u32 $0x70, s24;
	s25 =	sand.u32 $0x7C00, s22  }
0x24: {  	s23 =	sor.u32 s23, s25  }
0x25: {  	s24 =	sadd.s32 $0x10, s24;
	[tilespmem:s23+$0x100] =	vst v0;
	s23 =	simm.s32 $0x0  }
0x26: {  	s22 =	sand.u32 $0x70, s23;
	s24 =	sand.u32 $0x7C00, s23  }
0x27: {  	s22 =	sor.u32 s22, s24  }
0x28: {  	s25 =	simm.s32 $0x0;
	s24 =	simm.s32 $0x10;
	[tilespmem:s22+$0x180] =	vst v0  }
.LBB2_8:
0x29: {  	p0 =	sne.s32 s24, $0xFF0  }
.Ltmp3:
0x2a: {  	_ = 	snop;
	(pc) =	sbr.rel @p0 .LBB2_8-.Ltmp3, $4  }
0x2b: {  	s25 =	sadd.s32 $0x80, s25  }
0x2c: {  	s26 =	sand.u32 $0x70, s24;
	s28 =	sand.u32 $0x7C00, s25  }
0x2d: {  	s26 =	sor.u32 s26, s28  }
0x2e: {  	s24 =	sadd.s32 $0x10, s24;
	[tilespmem:s26+$0x180] =	vst v0  }
0x2f: {  	s24 =	simm.s32 $0x10;
	[tilespmem:s22+$0x200] =	vst v0  }
.LBB2_10:
0x30: {  	p0 =	sne.s32 s24, $0xFF0  }
.Ltmp4:
0x31: {  	_ = 	snop;
	(pc) =	sbr.rel @p0 .LBB2_10-.Ltmp4, $4  }
0x32: {  	s23 =	sadd.s32 $0x80, s23  }
0x33: {  	s22 =	sand.u32 $0x70, s24;
	s25 =	sand.u32 $0x7C00, s23  }
0x34: {  	s22 =	sor.u32 s22, s25  }
0x35: {  	s24 =	sadd.s32 $0x10, s24;
	[tilespmem:s22+$0x200] =	vst v0;
	s22 =	simm.s32 $0x0  }
0x36: {  	s23 =	sand.u32 $0x70, s22;
	s24 =	sand.u32 $0x7C00, s22  }
0x37: {  	s24 =	sor.u32 s23, s24  }
0x38: {  	s23 =	simm.s32 $0x10;
	[tilespmem:s24+$0x280] =	vst v0;
	s24 =	simm.s32 $0x0  }
.LBB2_12:
0x39: {  	p0 =	sne.s32 s23, $0xFF0  }
.Ltmp5:
0x3a: {  	_ = 	snop;
	(pc) =	sbr.rel @p0 .LBB2_12-.Ltmp5, $4  }
0x3b: {  	s24 =	sadd.s32 $0x80, s24  }
0x3c: {  	s25 =	sand.u32 $0x70, s23;
	s26 =	sand.u32 $0x7C00, s24  }
0x3d: {  	s25 =	sor.u32 s25, s26  }
0x3e: {  	s23 =	sadd.s32 $0x10, s23;
	[tilespmem:s25+$0x280] =	vst v0  }
0x3f: {  	s23 =	simm.s32 $0x0  }
.LBB2_14:
0x40: {  	p0 =	sne.s32 s23, $0xFF0  }
.Ltmp6:
0x41: {  	_ = 	snop;
	(pc) =	sbr.rel @p0 .LBB2_14-.Ltmp6, $4  }
0x42: {  	_ = 	snop  }
0x43: {  	s24 =	sand.u32 $0x70, s23;
	s25 =	sand.u32 $0x7C00, s22  }
0x44: {  	s24 =	sor.u32 s24, s25  }
0x45: {  	s22 =	sadd.s32 $0x80, s22;
	s23 =	sadd.s32 $0x10, s23;
	[tilespmem:s24+$0x300] =	vst v0  }
0x46: {  	s22 =	simm.s32 $0x0  }
0x47: {  	s23 =	sand.u32 $0x7, s22  }
0x48: {  	s23 =	sshll.u32 s23, $0x4  }
0x49: {  	s23 =	sadd.s32 $0x0, s23  }
0x4a: {  	s24 =	sor.u32 $0x380, s23  }
0x4b: {  	s23 =	simm.s32 $0x10;
	[tilespmem:s24+$0x0] =	vst v0;
	s24 =	simm.s32 $0x1  }
.LBB2_16:
0x4c: {  	s25 =	sand.u32 $0x7, s24;
	p0 =	sne.s32 s23, $0xFF0;
	s23 =	sadd.s32 $0x10, s23  }
.Ltmp7:
0x4d: {  	s22 =	sadd.s32 $0x80, s22;
	s25 =	sshll.u32 s25, $0x4;
	(pc) =	sbr.rel @p0 .LBB2_16-.Ltmp7, $4  }
0x4e: {  	s25 =	sadd.s32 s25, s22  }
0x4f: {  	s25 =	sor.u32 $0x380, s25  }
0x50: {  	[tilespmem:s25+$0x0] =	vst v0  }
0x51: {  	s24 =	sadd.s32 $0x1, s24  }
0x52: {  	[hbm4b:s3+s2] =	stream.linear.scatter [tilespmem:s2], [sflag:$0x1], $0x8000, $0x38;
	[tilespmem:$0x8000] =	vst v63  }
0x53: {  	_ = 	snop  }
0x54: {  	[hbm4b:s4+s2] =	stream.linear.scatter [tilespmem:s2], [sflag:$0x1], $0x8000, $0x38;
	[tilespmem:$0x8000] =	vst v63  }
0x55: {  	_ = 	snop  }
0x56: {  	[hbm4b:s5+s2] =	stream.linear.scatter [tilespmem:s2], [sflag:$0x1], $0x8000, $0x38;
	[tilespmem:$0x8000] =	vst v63  }
0x57: {  	_ = 	snop  }
0x58: {  	[hbm4b:s6+s2] =	stream.linear.scatter [tilespmem:s2], [sflag:$0x1], $0x8000, $0x38;
	[tilespmem:$0x8000] =	vst v63  }
0x59: {  	_ = 	snop  }
0x5a: {  	[hbm4b:s7+s2] =	stream.linear.scatter [tilespmem:s2], [sflag:$0x1], $0x8000, $0x38;
	[tilespmem:$0x8000] =	vst v63  }
0x5b: {  	_ = 	snop  }
0x5c: {  	[hbm4b:s8+s2] =	stream.linear.scatter [tilespmem:s2], [sflag:$0x1], $0x8000, $0x38;
	[tilespmem:$0x8000] =	vst v63  }
0x5d: {  	_ = 	snop  }
0x5e: {  	[hbm4b:s9+s2] =	stream.linear.scatter [tilespmem:s2], [sflag:$0x1], $0x8000, $0x38;
	[tilespmem:$0x8000] =	vst v63  }
0x5f: {  	_ = 	snop  }
0x60: {  	[hbm4b:s10+s2] =	stream.linear.scatter [tilespmem:s2], [sflag:$0x1], $0x8000, $0x38;
	[tilespmem:$0x8000] =	vst v63  }
0x61: {  	_ = 	snop  }
0x62: {  	[hbm4b:s11+s2] =	stream.linear.scatter [tilespmem:s2], [sflag:$0x1], $0x8000, $0x38;
	[tilespmem:$0x8000] =	vst v63  }
0x63: {  	_ = 	snop  }
0x64: {  	[hbm4b:s12+s2] =	stream.linear.scatter [tilespmem:s2], [sflag:$0x1], $0x8000, $0x38;
	[tilespmem:$0x8000] =	vst v63  }
0x65: {  	_ = 	snop  }
0x66: {  	[hbm4b:s13+s2] =	stream.linear.scatter [tilespmem:s2], [sflag:$0x1], $0x8000, $0x38;
	[tilespmem:$0x8000] =	vst v63  }
0x67: {  	_ = 	snop  }
0x68: {  	[hbm4b:s14+s2] =	stream.linear.scatter [tilespmem:s2], [sflag:$0x1], $0x8000, $0x38;
	[tilespmem:$0x8000] =	vst v63  }
0x69: {  	_ = 	snop  }
0x6a: {  	[hbm4b:s15+s2] =	stream.linear.scatter [tilespmem:s2], [sflag:$0x1], $0x8000, $0x38;
	[tilespmem:$0x8000] =	vst v63  }
0x6b: {  	_ = 	snop  }
0x6c: {  	[hbm4b:s16+s2] =	stream.linear.scatter [tilespmem:s2], [sflag:$0x1], $0x8000, $0x38;
	[tilespmem:$0x8000] =	vst v63  }
0x6d: {  	_ = 	snop  }
0x6e: {  	[hbm4b:s17+s2] =	stream.linear.scatter [tilespmem:s2], [sflag:$0x1], $0x8000, $0x38;
	[tilespmem:$0x8000] =	vst v63  }
0x6f: {  	_ = 	snop  }
0x70: {  	[hbm4b:s18+s2] =	stream.linear.scatter [tilespmem:s2], [sflag:$0x1], $0x8000, $0x38;
	[tilespmem:$0x8000] =	vst v63  }
0x71: {  	_ =	swait.ge [sflag:s20], $0x8000  }
0x72: {  	[sflag:s20] =	ssyncset.done $0x0  }
0x73: {  	[sflag:s20] =	ssyncadd.s32 $0xFFFF8000  }
0x74: {  	_ =	swait.ge [sflag:s20], $0x8000  }
0x75: {  	[sflag:s20] =	ssyncset.done $0x0  }
0x76: {  	[sflag:s20] =	ssyncadd.s32 $0xFFFF8000  }
0x77: {  	_ =	swait.ge [sflag:s20], $0x8000  }
0x78: {  	[sflag:s20] =	ssyncset.done $0x0  }
0x79: {  	[sflag:s20] =	ssyncadd.s32 $0xFFFF8000  }
0x7a: {  	_ =	swait.ge [sflag:s20], $0x8000  }
0x7b: {  	[sflag:s20] =	ssyncset.done $0x0  }
0x7c: {  	[sflag:s20] =	ssyncadd.s32 $0xFFFF8000  }
0x7d: {  	_ =	swait.ge [sflag:s20], $0x8000  }
0x7e: {  	[sflag:s20] =	ssyncset.done $0x0  }
0x7f: {  	[sflag:s20] =	ssyncadd.s32 $0xFFFF8000  }
0x80: {  	_ =	swait.ge [sflag:s20], $0x8000  }
0x81: {  	[sflag:s20] =	ssyncset.done $0x0  }
0x82: {  	[sflag:s20] =	ssyncadd.s32 $0xFFFF8000  }
0x83: {  	_ =	swait.ge [sflag:s20], $0x8000  }
0x84: {  	[sflag:s20] =	ssyncset.done $0x0  }
0x85: {  	[sflag:s20] =	ssyncadd.s32 $0xFFFF8000  }
0x86: {  	_ =	swait.ge [sflag:s20], $0x8000  }
0x87: {  	[sflag:s20] =	ssyncset.done $0x0  }
0x88: {  	[sflag:s20] =	ssyncadd.s32 $0xFFFF8000  }
0x89: {  	_ =	swait.ge [sflag:s20], $0x8000  }
0x8a: {  	[sflag:s20] =	ssyncset.done $0x0  }
0x8b: {  	[sflag:s20] =	ssyncadd.s32 $0xFFFF8000  }
0x8c: {  	_ =	swait.ge [sflag:s20], $0x8000  }
0x8d: {  	[sflag:s20] =	ssyncset.done $0x0  }
0x8e: {  	[sflag:s20] =	ssyncadd.s32 $0xFFFF8000  }
0x8f: {  	_ =	swait.ge [sflag:s20], $0x8000  }
0x90: {  	[sflag:s20] =	ssyncset.done $0x0  }
0x91: {  	[sflag:s20] =	ssyncadd.s32 $0xFFFF8000  }
0x92: {  	_ =	swait.ge [sflag:s20], $0x8000  }
0x93: {  	[sflag:s20] =	ssyncset.done $0x0  }
0x94: {  	[sflag:s20] =	ssyncadd.s32 $0xFFFF8000  }
0x95: {  	_ =	swait.ge [sflag:s20], $0x8000  }
0x96: {  	[sflag:s20] =	ssyncset.done $0x0  }
0x97: {  	[sflag:s20] =	ssyncadd.s32 $0xFFFF8000  }
0x98: {  	_ =	swait.ge [sflag:s20], $0x8000  }
0x99: {  	[sflag:s20] =	ssyncset.done $0x0  }
0x9a: {  	s21 =	sadd.s32 $0x1, s21;
	[sflag:s20] =	ssyncadd.s32 $0xFFFF8000  }
0x9b: {  	p0 =	sne.s32 s21, s19;
	_ =	swait.ge [sflag:s20], $0x8000  }
.Ltmp8:
0x9c: {  	[sflag:s20] =	ssyncset.done $0x0;
	(pc) =	sbr.rel @p0 .LBB2_1-.Ltmp8, $4  }
0x9d: {  	[sflag:s20] =	ssyncadd.s32 $0xFFFF8000  }
0x9e: {  	_ =	swait.ge [sflag:s20], $0x8000  }
0x9f: {  	[sflag:s20] =	ssyncset.done $0x0  }
0xa0: {  	[sflag:s20] =	ssyncadd.s32 $0xFFFF8000  }
0xa1: {  	_ =	sfence.sel $0x180000  }
0xa2: {  	[bflag:$0x0] =	sbarrier.arrive $0xFFFF  }
0xa3: {  	p0 =	sne.s32 s1, $0x0;
	_ =	strace $0x90000047  }
0xa4: {  	s0 =	sadd.s32 @!p0 $0x100000, s0;
	[bflag:$0x2] =	sbarrier.arrive $0xFFFF  }
0xa5: {  	[sflag:s0] =	ssyncadd.tile.s32 @!p0 $0x1;
	_ =	shalt  }
.Lfunc_end2:
_tile_overlayer_lowered:
.L_overlay_start_2:
0xa6: {  	(tag) =	ssettag $0x2  }
0xa7: {  	s0 =	rddreg [dreg:$0x0];
	s2 =	stileid.u32  }
0xa8: {  	s1 =	rddreg [dreg:$0x1];
	p0 =	sne.s32 s2, $0x0  }
0xa9: {  	s3 =	rddreg [dreg:$0x2];
	[bflag:$0x3] =	sbarrier.arrive $0xFFFF;
	s2 =	simm.s32 @!p0 $0x1C02  }
0xaa: {  	[timem:s3], [sflag:s2] =	dma.local @!p0 [hbm:s0], s1  }
0xab: {  	s0 =	simm.s32 @!p0 $0x2  }
0xac: {  	_ =	swait.ge @!p0 [sflag:s0], s1  }
0xad: {  	s1 =	ssub.s32 @!p0 $0x0, s1;
	[sflag:s0] =	ssyncset.done @!p0 $0x0  }
0xae: {  	[sflag:s0] =	ssyncadd.s32 @!p0 s1  }
0xaf: {  	[bflag:$0x3] =	sbarrier.arrive $0xFFFF  }
0xb0: {  	_ =	shalt  }

</sc_bundles>
